<compile_context>
chip_gen: v7x
topology: tpu7x:2x2x1
jax: 0.10.2.dev20260603
libtpu: 0.0.44.dev20260713+nightly
codegen_flags: <defaults>
</compile_context>

<pallas_src>
import functools

import jax
import jax.numpy as jnp
from jax import lax
from jax.experimental import pallas as pl
from jax.experimental.pallas import tpu as pltpu
from jax.experimental.pallas import tpu_sc as plsc

NUM_EMB = 1000000
EMB_DIM = 32
BATCH = 16384
HIST = 50
B = BATCH * HIST

NC, NS = 2, 16
NW = NC * NS
BATCH_PW = BATCH // NW
IDXW = 128
NSTREAM = BATCH_PW // IDXW

MLP_B = 16384


def _sc_gather(table, xt):
    mesh = plsc.VectorSubcoreMesh(core_axis_name="c", subcore_axis_name="s")

    @functools.partial(
        pl.kernel,
        out_type=jax.ShapeDtypeStruct((HIST, BATCH, EMB_DIM), jnp.float32),
        mesh=mesh,
        compiler_params=pltpu.CompilerParams(use_tc_tiling_on_sc=False),
        scratch_types=[
            pltpu.VMEM((HIST, BATCH_PW), jnp.int32),
            pltpu.VMEM((2, BATCH_PW, EMB_DIM), jnp.float32),
            pltpu.SemaphoreType.DMA,
            pltpu.SemaphoreType.DMA,
            pltpu.SemaphoreType.DMA,
            pltpu.SemaphoreType.DMA,
        ],
    )
    def k(table_hbm, xt_hbm, out_hbm, idx_v, rows_v, gsem0, gsem1, psem0, psem1):
        wid = lax.axis_index("s") * NC + lax.axis_index("c")
        bbase = wid * BATCH_PW
        pltpu.sync_copy(xt_hbm.at[:, pl.ds(bbase, BATCH_PW)], idx_v)

        def gathers(h, buf, gsem):
            for t in range(NSTREAM):
                pltpu.async_copy(
                    table_hbm.at[idx_v.at[h].at[pl.ds(t * IDXW, IDXW)]],
                    rows_v.at[buf].at[pl.ds(t * IDXW, IDXW)],
                    gsem,
                )

        def wait_gathers(buf, gsem):
            for t in range(NSTREAM):
                pltpu.make_async_copy(
                    table_hbm.at[idx_v.at[0].at[pl.ds(0, IDXW)]],
                    rows_v.at[buf].at[pl.ds(0, IDXW)],
                    gsem,
                ).wait()

        def put(h, buf, psem):
            pltpu.async_copy(
                rows_v.at[buf], out_hbm.at[h].at[pl.ds(bbase, BATCH_PW)], psem
            )

        def wait_put(buf, psem):
            pltpu.make_async_copy(
                rows_v.at[buf], out_hbm.at[0].at[pl.ds(bbase, BATCH_PW)], psem
            ).wait()

        gathers(0, 0, gsem0)

        def step(i, _):
            h0 = 2 * i
            pl.when(i > 0)(lambda: wait_put(1, psem1))
            gathers(h0 + 1, 1, gsem1)
            wait_gathers(0, gsem0)
            put(h0, 0, psem0)
            wait_put(0, psem0)
            pl.when(i < HIST // 2 - 1)(lambda: gathers(h0 + 2, 0, gsem0))
            wait_gathers(1, gsem1)
            put(h0 + 1, 1, psem1)
            return 0

        lax.fori_loop(0, HIST // 2, step, 0)
        wait_put(1, psem1)

    return k(table, xt)


def _mlp_body(x_ref, w1_ref, b1_ref, w2_ref, b2_ref, o_ref):
    gt = x_ref[0].T
    h = jnp.dot(w1_ref[...], gt, preferred_element_type=jnp.float32)
    h = jnp.maximum(h + b1_ref[...], 0.0)
    h = jnp.dot(w2_ref[...], h, preferred_element_type=jnp.float32)
    o_ref[0] = jnp.maximum(h + b2_ref[...], 0.0)


def _tc_mlp(gh, w1, b1c, w2, b2c):
    grid = (HIST, BATCH // MLP_B)
    return pl.pallas_call(
        _mlp_body,
        grid=grid,
        in_specs=[
            pl.BlockSpec((1, MLP_B, EMB_DIM), lambda h, c: (h, c, 0)),
            pl.BlockSpec((EMB_DIM, EMB_DIM), lambda h, c: (0, 0)),
            pl.BlockSpec((EMB_DIM, 1), lambda h, c: (0, 0)),
            pl.BlockSpec((EMB_DIM, EMB_DIM), lambda h, c: (0, 0)),
            pl.BlockSpec((EMB_DIM, 1), lambda h, c: (0, 0)),
        ],
        out_specs=pl.BlockSpec((1, EMB_DIM, MLP_B), lambda h, c: (h, 0, c)),
        out_shape=jax.ShapeDtypeStruct((HIST, EMB_DIM, BATCH), jnp.float32),
    )(gh, w1, b1c, w2, b2c)


def kernel(x, emb, W1, b1, W2, b2):
    xt = x.T.astype(jnp.int32)
    gh = _sc_gather(emb, xt)
    out3 = _tc_mlp(
        gh, W1, b1.reshape(EMB_DIM, 1), W2, b2.reshape(EMB_DIM, 1)
    )
    return jnp.transpose(out3, (2, 0, 1))

# --- scband reference (transcript-rebuilt; emitter-appended) ---
"""Pipeline reference for scband-integer-embedding-model-618475291380 (READ-ONLY COPY).

The authoritative reference and input builder live on the scoring server;
editing this copy changes nothing except your own understanding.
"""

import jax, jax.numpy as jnp
import numpy as np

NUM_EMB = 1000000
EMB_DIM = 32
BATCH = 16384
HIST = 50

def setup_inputs(seed: int = 0) -> dict:
    key = jax.random.key(seed)
    k_idx, k_emb, k_w1, k_b1, k_w2, k_b2 = jax.random.split(key, 6)
    x = jax.random.randint(k_idx, (BATCH, HIST), 0, NUM_EMB, dtype=jnp.int64 if jax.config.jax_enable_x64 else jnp.int32)
    emb = jax.random.normal(k_emb, (NUM_EMB, EMB_DIM), dtype=jnp.float32)
    lim1 = 1.0 / np.sqrt(EMB_DIM)
    W1 = jax.random.uniform(k_w1, (EMB_DIM, EMB_DIM), minval=-lim1, maxval=lim1, dtype=jnp.float32)
    b1 = jax.random.uniform(k_b1, (EMB_DIM,), minval=-lim1, maxval=lim1, dtype=jnp.float32)
    W2 = jax.random.uniform(k_w2, (EMB_DIM, EMB_DIM), minval=-lim1, maxval=lim1, dtype=jnp.float32)
    b2 = jax.random.uniform(k_b2, (EMB_DIM,), minval=-lim1, maxval=lim1, dtype=jnp.float32)
    return {"x": x, "emb": emb, "W1": W1, "b1": b1, "W2": W2, "b2": b2}

def reference(x, emb, W1, b1, W2, b2):
    h = jnp.take(emb, x, axis=0)              # [B, L, D] embedding gather
    h = jax.nn.relu(h @ W1.T + b1)            # linear1 + relu
    h = jax.nn.relu(h @ W2.T + b2)            # linear2 + relu
    return h

if __name__ == "__main__":
    import jax
    _d = setup_inputs()
    print(jax.jit(kernel)(*tuple(_d.values())))

</pallas_src>

<mosaic_0001>
#map = affine_map<(d0, d1) -> (0, 0)>
#map1 = affine_map<(d0, d1) -> (0, 0, 0)>
module attributes {stable_mosaic.version = 14 : i64} {
  func.func @k(%arg0: i32, %arg1: i32, %arg2: memref<1000000x32xf32, #tpu.memory_space<hbm>>, %arg3: memref<50x16384xi32, #tpu.memory_space<hbm>>, %arg4: memref<50x16384x32xf32, #tpu.memory_space<hbm>>, %arg5: memref<50x512xi32, #tpu.memory_space<vmem>>, %arg6: memref<2x512x32xf32, #tpu.memory_space<vmem>>, %arg7: memref<!tpu.dma_semaphore, #tpu.memory_space<semaphore_mem>>, %arg8: memref<!tpu.dma_semaphore, #tpu.memory_space<semaphore_mem>>, %arg9: memref<!tpu.dma_semaphore, #tpu.memory_space<semaphore_mem>>, %arg10: memref<!tpu.dma_semaphore, #tpu.memory_space<semaphore_mem>>) attributes {dimension_semantics = [#tpu.dimension_semantics<core_parallel>, #tpu.dimension_semantics<subcore_parallel>], iteration_bounds = array<i64: 2, 16>, scalar_prefetch = 0 : i64, scratch_operands = 6 : i64, tpu.core_type = #tpu.core_type<sc_vector_subcore>, window_params = [{transform_indices = #map}, {transform_indices = #map}, {transform_indices = #map1}]} {
    %mul3A = arith.constant 2 : i32
    %mul3A_0 = arith.muli %arg1, %mul3A : i32
    %add3A = arith.addi %mul3A_0, %arg0 : i32
    %mul3A_1 = arith.constant 512 : i32
    %mul3A_2 = arith.muli %add3A, %mul3A_1 : i32
    "tpu.region"() ({
      %run_scoped3A = tpu.sem_alloc : memref<!tpu.dma_semaphore, #tpu.memory_space<semaphore_mem>>
      %dma_start3A_97 = arith.constant 0 : i32
      %dma_start3A_98 = tpu.memref_slice %arg3[%dma_start3A_97, %mul3A_2] : memref<50x16384xi32, #tpu.memory_space<hbm>> -> memref<50x512xi32, #tpu.memory_space<hbm>>
      %dma_start3A_99 = arith.constant 0 : i32
      %dma_start3A_100 = tpu.memref_slice %arg3[%dma_start3A_99, %mul3A_2] : memref<50x16384xi32, #tpu.memory_space<hbm>> -> memref<50x512xi32, #tpu.memory_space<hbm>>
      tpu.enqueue_dma source(%dma_start3A_100 : memref<50x512xi32, #tpu.memory_space<hbm>>) target(%arg5 : memref<50x512xi32, #tpu.memory_space<vmem>>) target_semaphore(%run_scoped3A : memref<!tpu.dma_semaphore, #tpu.memory_space<semaphore_mem>>)
      %dma_wait3A_101 = arith.constant 0 : i32
      %dma_wait3A_102 = tpu.memref_slice %arg3[%dma_wait3A_101, %mul3A_2] : memref<50x16384xi32, #tpu.memory_space<hbm>> -> memref<50x512xi32, #tpu.memory_space<hbm>>
      %dma_wait3A_103 = arith.constant 0 : i32
      %dma_wait3A_104 = tpu.memref_slice %arg3[%dma_wait3A_103, %mul3A_2] : memref<50x16384xi32, #tpu.memory_space<hbm>> -> memref<50x512xi32, #tpu.memory_space<hbm>>
      tpu.wait_dma2 semaphore(%run_scoped3A : memref<!tpu.dma_semaphore, #tpu.memory_space<semaphore_mem>>) src(%dma_wait3A_104 : memref<50x512xi32, #tpu.memory_space<hbm>>) dst(%arg5 : memref<50x512xi32, #tpu.memory_space<vmem>>)
      tpu.yield
    }) : () -> ()
    %dma_start3A = arith.constant 0 : i32
    %dma_start3A_3 = arith.constant 0 : i32
    %dma_start3A_4 = arith.constant 0 : i32
    %dma_start3A_5 = arith.constant 0 : i32
    %dma_start3A_6 = tpu.memref_slice %arg6[%dma_start3A_3, %dma_start3A_4, %dma_start3A_5] : memref<2x512x32xf32, #tpu.memory_space<vmem>> -> memref<1x512x32xf32, #tpu.memory_space<vmem>>
    %dma_start3A_7 = tpu.memref_squeeze %dma_start3A_6 : memref<1x512x32xf32, #tpu.memory_space<vmem>> -> memref<512x32xf32, #tpu.memory_space<vmem>>
    %dma_start3A_8 = arith.constant 0 : i32
    %dma_start3A_9 = arith.constant 0 : i32
    %dma_start3A_10 = tpu.memref_slice %dma_start3A_7[%dma_start3A_8, %dma_start3A_9] : memref<512x32xf32, #tpu.memory_space<vmem>> -> memref<128x32xf32, #tpu.memory_space<vmem>>
    %dma_start3A_11 = arith.constant 0 : i32
    %dma_start3A_12 = tpu.memref_slice %arg5[%dma_start3A, %dma_start3A_11] : memref<50x512xi32, #tpu.memory_space<vmem>> -> memref<1x512xi32, #tpu.memory_space<vmem>>
    %dma_start3A_13 = tpu.memref_squeeze %dma_start3A_12 : memref<1x512xi32, #tpu.memory_space<vmem>> -> memref<512xi32, #tpu.memory_space<vmem>>
    %dma_start3A_14 = arith.constant 0 : i32
    %dma_start3A_15 = tpu.memref_slice %dma_start3A_13[%dma_start3A_14] : memref<512xi32, #tpu.memory_space<vmem>> -> memref<128xi32, #tpu.memory_space<vmem>>
    %dma_start3A_16 = arith.constant 0 : i32
    %dma_start3A_17 = arith.constant 0 : i32
    %dma_start3A_18 = tpu.memref_slice %arg2[%dma_start3A_16, %dma_start3A_17] : memref<1000000x32xf32, #tpu.memory_space<hbm>> -> memref<1000000x32xf32, #tpu.memory_space<hbm>>
    tpu.enqueue_indirect_dma source(%dma_start3A_18 : memref<1000000x32xf32, #tpu.memory_space<hbm>>) target(%dma_start3A_10 : memref<128x32xf32, #tpu.memory_space<vmem>>) offsets(%dma_start3A_15 : memref<128xi32, #tpu.memory_space<vmem>>) semaphore(%arg7 : memref<!tpu.dma_semaphore, #tpu.memory_space<semaphore_mem>>)
    %dma_start3A_19 = arith.constant 0 : i32
    %dma_start3A_20 = arith.constant 0 : i32
    %dma_start3A_21 = arith.constant 0 : i32
    %dma_start3A_22 = arith.constant 0 : i32
    %dma_start3A_23 = tpu.memref_slice %arg6[%dma_start3A_20, %dma_start3A_21, %dma_start3A_22] : memref<2x512x32xf32, #tpu.memory_space<vmem>> -> memref<1x512x32xf32, #tpu.memory_space<vmem>>
    %dma_start3A_24 = tpu.memref_squeeze %dma_start3A_23 : memref<1x512x32xf32, #tpu.memory_space<vmem>> -> memref<512x32xf32, #tpu.memory_space<vmem>>
    %dma_start3A_25 = arith.constant 128 : i32
    %dma_start3A_26 = arith.constant 0 : i32
    %dma_start3A_27 = tpu.memref_slice %dma_start3A_24[%dma_start3A_25, %dma_start3A_26] : memref<512x32xf32, #tpu.memory_space<vmem>> -> memref<128x32xf32, #tpu.memory_space<vmem>>
    %dma_start3A_28 = arith.constant 0 : i32
    %dma_start3A_29 = tpu.memref_slice %arg5[%dma_start3A_19, %dma_start3A_28] : memref<50x512xi32, #tpu.memory_space<vmem>> -> memref<1x512xi32, #tpu.memory_space<vmem>>
    %dma_start3A_30 = tpu.memref_squeeze %dma_start3A_29 : memref<1x512xi32, #tpu.memory_space<vmem>> -> memref<512xi32, #tpu.memory_space<vmem>>
    %dma_start3A_31 = arith.constant 128 : i32
    %dma_start3A_32 = tpu.memref_slice %dma_start3A_30[%dma_start3A_31] : memref<512xi32, #tpu.memory_space<vmem>> -> memref<128xi32, #tpu.memory_space<vmem>>
    %dma_start3A_33 = arith.constant 0 : i32
    %dma_start3A_34 = arith.constant 0 : i32
    %dma_start3A_35 = tpu.memref_slice %arg2[%dma_start3A_33, %dma_start3A_34] : memref<1000000x32xf32, #tpu.memory_space<hbm>> -> memref<1000000x32xf32, #tpu.memory_space<hbm>>
    tpu.enqueue_indirect_dma source(%dma_start3A_35 : memref<1000000x32xf32, #tpu.memory_space<hbm>>) target(%dma_start3A_27 : memref<128x32xf32, #tpu.memory_space<vmem>>) offsets(%dma_start3A_32 : memref<128xi32, #tpu.memory_space<vmem>>) semaphore(%arg7 : memref<!tpu.dma_semaphore, #tpu.memory_space<semaphore_mem>>)
    %dma_start3A_36 = arith.constant 0 : i32
    %dma_start3A_37 = arith.constant 0 : i32
    %dma_start3A_38 = arith.constant 0 : i32
    %dma_start3A_39 = arith.constant 0 : i32
    %dma_start3A_40 = tpu.memref_slice %arg6[%dma_start3A_37, %dma_start3A_38, %dma_start3A_39] : memref<2x512x32xf32, #tpu.memory_space<vmem>> -> memref<1x512x32xf32, #tpu.memory_space<vmem>>
    %dma_start3A_41 = tpu.memref_squeeze %dma_start3A_40 : memref<1x512x32xf32, #tpu.memory_space<vmem>> -> memref<512x32xf32, #tpu.memory_space<vmem>>
    %dma_start3A_42 = arith.constant 256 : i32
    %dma_start3A_43 = arith.constant 0 : i32
    %dma_start3A_44 = tpu.memref_slice %dma_start3A_41[%dma_start3A_42, %dma_start3A_43] : memref<512x32xf32, #tpu.memory_space<vmem>> -> memref<128x32xf32, #tpu.memory_space<vmem>>
    %dma_start3A_45 = arith.constant 0 : i32
    %dma_start3A_46 = tpu.memref_slice %arg5[%dma_start3A_36, %dma_start3A_45] : memref<50x512xi32, #tpu.memory_space<vmem>> -> memref<1x512xi32, #tpu.memory_space<vmem>>
    %dma_start3A_47 = tpu.memref_squeeze %dma_start3A_46 : memref<1x512xi32, #tpu.memory_space<vmem>> -> memref<512xi32, #tpu.memory_space<vmem>>
    %dma_start3A_48 = arith.constant 256 : i32
    %dma_start3A_49 = tpu.memref_slice %dma_start3A_47[%dma_start3A_48] : memref<512xi32, #tpu.memory_space<vmem>> -> memref<128xi32, #tpu.memory_space<vmem>>
    %dma_start3A_50 = arith.constant 0 : i32
    %dma_start3A_51 = arith.constant 0 : i32
    %dma_start3A_52 = tpu.memref_slice %arg2[%dma_start3A_50, %dma_start3A_51] : memref<1000000x32xf32, #tpu.memory_space<hbm>> -> memref<1000000x32xf32, #tpu.memory_space<hbm>>
    tpu.enqueue_indirect_dma source(%dma_start3A_52 : memref<1000000x32xf32, #tpu.memory_space<hbm>>) target(%dma_start3A_44 : memref<128x32xf32, #tpu.memory_space<vmem>>) offsets(%dma_start3A_49 : memref<128xi32, #tpu.memory_space<vmem>>) semaphore(%arg7 : memref<!tpu.dma_semaphore, #tpu.memory_space<semaphore_mem>>)
    %dma_start3A_53 = arith.constant 0 : i32
    %dma_start3A_54 = arith.constant 0 : i32
    %dma_start3A_55 = arith.constant 0 : i32
    %dma_start3A_56 = arith.constant 0 : i32
    %dma_start3A_57 = tpu.memref_slice %arg6[%dma_start3A_54, %dma_start3A_55, %dma_start3A_56] : memref<2x512x32xf32, #tpu.memory_space<vmem>> -> memref<1x512x32xf32, #tpu.memory_space<vmem>>
    %dma_start3A_58 = tpu.memref_squeeze %dma_start3A_57 : memref<1x512x32xf32, #tpu.memory_space<vmem>> -> memref<512x32xf32, #tpu.memory_space<vmem>>
    %dma_start3A_59 = arith.constant 384 : i32
    %dma_start3A_60 = arith.constant 0 : i32
    %dma_start3A_61 = tpu.memref_slice %dma_start3A_58[%dma_start3A_59, %dma_start3A_60] : memref<512x32xf32, #tpu.memory_space<vmem>> -> memref<128x32xf32, #tpu.memory_space<vmem>>
    %dma_start3A_62 = arith.constant 0 : i32
    %dma_start3A_63 = tpu.memref_slice %arg5[%dma_start3A_53, %dma_start3A_62] : memref<50x512xi32, #tpu.memory_space<vmem>> -> memref<1x512xi32, #tpu.memory_space<vmem>>
    %dma_start3A_64 = tpu.memref_squeeze %dma_start3A_63 : memref<1x512xi32, #tpu.memory_space<vmem>> -> memref<512xi32, #tpu.memory_space<vmem>>
    %dma_start3A_65 = arith.constant 384 : i32
    %dma_start3A_66 = tpu.memref_slice %dma_start3A_64[%dma_start3A_65] : memref<512xi32, #tpu.memory_space<vmem>> -> memref<128xi32, #tpu.memory_space<vmem>>
    %dma_start3A_67 = arith.constant 0 : i32
    %dma_start3A_68 = arith.constant 0 : i32
    %dma_start3A_69 = tpu.memref_slice %arg2[%dma_start3A_67, %dma_start3A_68] : memref<1000000x32xf32, #tpu.memory_space<hbm>> -> memref<1000000x32xf32, #tpu.memory_space<hbm>>
    tpu.enqueue_indirect_dma source(%dma_start3A_69 : memref<1000000x32xf32, #tpu.memory_space<hbm>>) target(%dma_start3A_61 : memref<128x32xf32, #tpu.memory_space<vmem>>) offsets(%dma_start3A_66 : memref<128xi32, #tpu.memory_space<vmem>>) semaphore(%arg7 : memref<!tpu.dma_semaphore, #tpu.memory_space<semaphore_mem>>)
    %scan3A = arith.constant 0 : i32
    %scan3A_70 = arith.constant 0 : i32
    %scan3A_71 = arith.constant 25 : i32
    %scan3A_72 = arith.addi %scan3A_70, %scan3A_71 : i32
    %scan3A_73 = arith.constant 1 : i32
    %scan3A_74 = scf.for %scan3A_97 = %scan3A_70 to %scan3A_72 step %scan3A_73 iter_args(%scan3A_98 = %scan3A) -> (i32)  : i32 {
      %mul3A_99 = arith.constant 2 : i32
      %mul3A_100 = arith.muli %mul3A_99, %scan3A_97 : i32
      %gt3A = arith.constant 0 : i32
      %gt3A_101 = arith.cmpi sgt, %scan3A_97, %gt3A : i32
      %convert_element_type3A = arith.extui %gt3A_101 : i1 to i32
      %cond3A = arith.constant 0 : i32
      %cond3A_102 = arith.cmpi ne, %convert_element_type3A, %cond3A : i32
      scf.if %cond3A_102 {
        %dma_wait3A_376 = arith.constant 1 : i32
        %dma_wait3A_377 = arith.constant 0 : i32
        %dma_wait3A_378 = arith.constant 0 : i32
        %dma_wait3A_379 = arith.constant 0 : i32
        %dma_wait3A_380 = tpu.memref_slice %arg6[%dma_wait3A_376, %dma_wait3A_378, %dma_wait3A_379] : memref<2x512x32xf32, #tpu.memory_space<vmem>> -> memref<1x512x32xf32, #tpu.memory_space<vmem>>
        %dma_wait3A_381 = tpu.memref_squeeze %dma_wait3A_380 : memref<1x512x32xf32, #tpu.memory_space<vmem>> -> memref<512x32xf32, #tpu.memory_space<vmem>>
        %dma_wait3A_382 = arith.constant 0 : i32
        %dma_wait3A_383 = arith.constant 0 : i32
        %dma_wait3A_384 = tpu.memref_slice %arg4[%dma_wait3A_377, %dma_wait3A_382, %dma_wait3A_383] : memref<50x16384x32xf32, #tpu.memory_space<hbm>> -> memref<1x16384x32xf32, #tpu.memory_space<hbm>>
        %dma_wait3A_385 = tpu.memref_squeeze %dma_wait3A_384 : memref<1x16384x32xf32, #tpu.memory_space<hbm>> -> memref<16384x32xf32, #tpu.memory_space<hbm>>
        %dma_wait3A_386 = arith.constant 0 : i32
        %dma_wait3A_387 = tpu.memref_slice %dma_wait3A_385[%mul3A_2, %dma_wait3A_386] : memref<16384x32xf32, #tpu.memory_space<hbm>> -> memref<512x32xf32, #tpu.memory_space<hbm>>
        %dma_wait3A_388 = arith.constant 0 : i32
        %dma_wait3A_389 = arith.constant 0 : i32
        %dma_wait3A_390 = tpu.memref_slice %arg4[%dma_wait3A_377, %dma_wait3A_388, %dma_wait3A_389] : memref<50x16384x32xf32, #tpu.memory_space<hbm>> -> memref<1x16384x32xf32, #tpu.memory_space<hbm>>
        %dma_wait3A_391 = tpu.memref_squeeze %dma_wait3A_390 : memref<1x16384x32xf32, #tpu.memory_space<hbm>> -> memref<16384x32xf32, #tpu.memory_space<hbm>>
        %dma_wait3A_392 = arith.constant 0 : i32
        %dma_wait3A_393 = tpu.memref_slice %dma_wait3A_391[%mul3A_2, %dma_wait3A_392] : memref<16384x32xf32, #tpu.memory_space<hbm>> -> memref<512x32xf32, #tpu.memory_space<hbm>>
        %dma_wait3A_394 = arith.constant 0 : i32
        %dma_wait3A_395 = arith.constant 0 : i32
        %dma_wait3A_396 = tpu.memref_slice %arg6[%dma_wait3A_376, %dma_wait3A_394, %dma_wait3A_395] : memref<2x512x32xf32, #tpu.memory_space<vmem>> -> memref<1x512x32xf32, #tpu.memory_space<vmem>>
        %dma_wait3A_397 = tpu.memref_squeeze %dma_wait3A_396 : memref<1x512x32xf32, #tpu.memory_space<vmem>> -> memref<512x32xf32, #tpu.memory_space<vmem>>
        tpu.wait_dma2 semaphore(%arg10 : memref<!tpu.dma_semaphore, #tpu.memory_space<semaphore_mem>>) src(%dma_wait3A_397 : memref<512x32xf32, #tpu.memory_space<vmem>>) dst(%dma_wait3A_393 : memref<512x32xf32, #tpu.memory_space<hbm>>)
      } else {
      }
      %add3A_103 = arith.constant 1 : i32
      %add3A_104 = arith.addi %mul3A_100, %add3A_103 : i32
      %dma_start3A_105 = arith.constant 1 : i32
      %dma_start3A_106 = arith.constant 0 : i32
      %dma_start3A_107 = arith.constant 0 : i32
      %dma_start3A_108 = tpu.memref_slice %arg6[%dma_start3A_105, %dma_start3A_106, %dma_start3A_107] : memref<2x512x32xf32, #tpu.memory_space<vmem>> -> memref<1x512x32xf32, #tpu.memory_space<vmem>>
      %dma_start3A_109 = tpu.memref_squeeze %dma_start3A_108 : memref<1x512x32xf32, #tpu.memory_space<vmem>> -> memref<512x32xf32, #tpu.memory_space<vmem>>
      %dma_start3A_110 = arith.constant 0 : i32
      %dma_start3A_111 = arith.constant 0 : i32
      %dma_start3A_112 = tpu.memref_slice %dma_start3A_109[%dma_start3A_110, %dma_start3A_111] : memref<512x32xf32, #tpu.memory_space<vmem>> -> memref<128x32xf32, #tpu.memory_space<vmem>>
      %dma_start3A_113 = arith.constant 0 : i32
      %dma_start3A_114 = tpu.memref_slice %arg5[%add3A_104, %dma_start3A_113] : memref<50x512xi32, #tpu.memory_space<vmem>> -> memref<1x512xi32, #tpu.memory_space<vmem>>
      %dma_start3A_115 = tpu.memref_squeeze %dma_start3A_114 : memref<1x512xi32, #tpu.memory_space<vmem>> -> memref<512xi32, #tpu.memory_space<vmem>>
      %dma_start3A_116 = arith.constant 0 : i32
      %dma_start3A_117 = tpu.memref_slice %dma_start3A_115[%dma_start3A_116] : memref<512xi32, #tpu.memory_space<vmem>> -> memref<128xi32, #tpu.memory_space<vmem>>
      %dma_start3A_118 = arith.constant 0 : i32
      %dma_start3A_119 = arith.constant 0 : i32
      %dma_start3A_120 = tpu.memref_slice %arg2[%dma_start3A_118, %dma_start3A_119] : memref<1000000x32xf32, #tpu.memory_space<hbm>> -> memref<1000000x32xf32, #tpu.memory_space<hbm>>
      tpu.enqueue_indirect_dma source(%dma_start3A_120 : memref<1000000x32xf32, #tpu.memory_space<hbm>>) target(%dma_start3A_112 : memref<128x32xf32, #tpu.memory_space<vmem>>) offsets(%dma_start3A_117 : memref<128xi32, #tpu.memory_space<vmem>>) semaphore(%arg8 : memref<!tpu.dma_semaphore, #tpu.memory_space<semaphore_mem>>)
      %dma_start3A_121 = arith.constant 1 : i32
      %dma_start3A_122 = arith.constant 0 : i32
      %dma_start3A_123 = arith.constant 0 : i32
      %dma_start3A_124 = tpu.memref_slice %arg6[%dma_start3A_121, %dma_start3A_122, %dma_start3A_123] : memref<2x512x32xf32, #tpu.memory_space<vmem>> -> memref<1x512x32xf32, #tpu.memory_space<vmem>>
      %dma_start3A_125 = tpu.memref_squeeze %dma_start3A_124 : memref<1x512x32xf32, #tpu.memory_space<vmem>> -> memref<512x32xf32, #tpu.memory_space<vmem>>
      %dma_start3A_126 = arith.constant 128 : i32
      %dma_start3A_127 = arith.constant 0 : i32
      %dma_start3A_128 = tpu.memref_slice %dma_start3A_125[%dma_start3A_126, %dma_start3A_127] : memref<512x32xf32, #tpu.memory_space<vmem>> -> memref<128x32xf32, #tpu.memory_space<vmem>>
      %dma_start3A_129 = arith.constant 0 : i32
      %dma_start3A_130 = tpu.memref_slice %arg5[%add3A_104, %dma_start3A_129] : memref<50x512xi32, #tpu.memory_space<vmem>> -> memref<1x512xi32, #tpu.memory_space<vmem>>
      %dma_start3A_131 = tpu.memref_squeeze %dma_start3A_130 : memref<1x512xi32, #tpu.memory_space<vmem>> -> memref<512xi32, #tpu.memory_space<vmem>>
      %dma_start3A_132 = arith.constant 128 : i32
      %dma_start3A_133 = tpu.memref_slice %dma_start3A_131[%dma_start3A_132] : memref<512xi32, #tpu.memory_space<vmem>> -> memref<128xi32, #tpu.memory_space<vmem>>
      %dma_start3A_134 = arith.constant 0 : i32
      %dma_start3A_135 = arith.constant 0 : i32
      %dma_start3A_136 = tpu.memref_slice %arg2[%dma_start3A_134, %dma_start3A_135] : memref<1000000x32xf32, #tpu.memory_space<hbm>> -> memref<1000000x32xf32, #tpu.memory_space<hbm>>
      tpu.enqueue_indirect_dma source(%dma_start3A_136 : memref<1000000x32xf32, #tpu.memory_space<hbm>>) target(%dma_start3A_128 : memref<128x32xf32, #tpu.memory_space<vmem>>) offsets(%dma_start3A_133 : memref<128xi32, #tpu.memory_space<vmem>>) semaphore(%arg8 : memref<!tpu.dma_semaphore, #tpu.memory_space<semaphore_mem>>)
      %dma_start3A_137 = arith.constant 1 : i32
      %dma_start3A_138 = arith.constant 0 : i32
      %dma_start3A_139 = arith.constant 0 : i32
      %dma_start3A_140 = tpu.memref_slice %arg6[%dma_start3A_137, %dma_start3A_138, %dma_start3A_139] : memref<2x512x32xf32, #tpu.memory_space<vmem>> -> memref<1x512x32xf32, #tpu.memory_space<vmem>>
      %dma_start3A_141 = tpu.memref_squeeze %dma_start3A_140 : memref<1x512x32xf32, #tpu.memory_space<vmem>> -> memref<512x32xf32, #tpu.memory_space<vmem>>
      %dma_start3A_142 = arith.constant 256 : i32
      %dma_start3A_143 = arith.constant 0 : i32
      %dma_start3A_144 = tpu.memref_slice %dma_start3A_141[%dma_start3A_142, %dma_start3A_143] : memref<512x32xf32, #tpu.memory_space<vmem>> -> memref<128x32xf32, #tpu.memory_space<vmem>>
      %dma_start3A_145 = arith.constant 0 : i32
      %dma_start3A_146 = tpu.memref_slice %arg5[%add3A_104, %dma_start3A_145] : memref<50x512xi32, #tpu.memory_space<vmem>> -> memref<1x512xi32, #tpu.memory_space<vmem>>
      %dma_start3A_147 = tpu.memref_squeeze %dma_start3A_146 : memref<1x512xi32, #tpu.memory_space<vmem>> -> memref<512xi32, #tpu.memory_space<vmem>>
      %dma_start3A_148 = arith.constant 256 : i32
      %dma_start3A_149 = tpu.memref_slice %dma_start3A_147[%dma_start3A_148] : memref<512xi32, #tpu.memory_space<vmem>> -> memref<128xi32, #tpu.memory_space<vmem>>
      %dma_start3A_150 = arith.constant 0 : i32
      %dma_start3A_151 = arith.constant 0 : i32
      %dma_start3A_152 = tpu.memref_slice %arg2[%dma_start3A_150, %dma_start3A_151] : memref<1000000x32xf32, #tpu.memory_space<hbm>> -> memref<1000000x32xf32, #tpu.memory_space<hbm>>
      tpu.enqueue_indirect_dma source(%dma_start3A_152 : memref<1000000x32xf32, #tpu.memory_space<hbm>>) target(%dma_start3A_144 : memref<128x32xf32, #tpu.memory_space<vmem>>) offsets(%dma_start3A_149 : memref<128xi32, #tpu.memory_space<vmem>>) semaphore(%arg8 : memref<!tpu.dma_semaphore, #tpu.memory_space<semaphore_mem>>)
      %dma_start3A_153 = arith.constant 1 : i32
      %dma_start3A_154 = arith.constant 0 : i32
      %dma_start3A_155 = arith.constant 0 : i32
      %dma_start3A_156 = tpu.memref_slice %arg6[%dma_start3A_153, %dma_start3A_154, %dma_start3A_155] : memref<2x512x32xf32, #tpu.memory_space<vmem>> -> memref<1x512x32xf32, #tpu.memory_space<vmem>>
      %dma_start3A_157 = tpu.memref_squeeze %dma_start3A_156 : memref<1x512x32xf32, #tpu.memory_space<vmem>> -> memref<512x32xf32, #tpu.memory_space<vmem>>
      %dma_start3A_158 = arith.constant 384 : i32
      %dma_start3A_159 = arith.constant 0 : i32
      %dma_start3A_160 = tpu.memref_slice %dma_start3A_157[%dma_start3A_158, %dma_start3A_159] : memref<512x32xf32, #tpu.memory_space<vmem>> -> memref<128x32xf32, #tpu.memory_space<vmem>>
      %dma_start3A_161 = arith.constant 0 : i32
      %dma_start3A_162 = tpu.memref_slice %arg5[%add3A_104, %dma_start3A_161] : memref<50x512xi32, #tpu.memory_space<vmem>> -> memref<1x512xi32, #tpu.memory_space<vmem>>
      %dma_start3A_163 = tpu.memref_squeeze %dma_start3A_162 : memref<1x512xi32, #tpu.memory_space<vmem>> -> memref<512xi32, #tpu.memory_space<vmem>>
      %dma_start3A_164 = arith.constant 384 : i32
      %dma_start3A_165 = tpu.memref_slice %dma_start3A_163[%dma_start3A_164] : memref<512xi32, #tpu.memory_space<vmem>> -> memref<128xi32, #tpu.memory_space<vmem>>
      %dma_start3A_166 = arith.constant 0 : i32
      %dma_start3A_167 = arith.constant 0 : i32
      %dma_start3A_168 = tpu.memref_slice %arg2[%dma_start3A_166, %dma_start3A_167] : memref<1000000x32xf32, #tpu.memory_space<hbm>> -> memref<1000000x32xf32, #tpu.memory_space<hbm>>
      tpu.enqueue_indirect_dma source(%dma_start3A_168 : memref<1000000x32xf32, #tpu.memory_space<hbm>>) target(%dma_start3A_160 : memref<128x32xf32, #tpu.memory_space<vmem>>) offsets(%dma_start3A_165 : memref<128xi32, #tpu.memory_space<vmem>>) semaphore(%arg8 : memref<!tpu.dma_semaphore, #tpu.memory_space<semaphore_mem>>)
      %dma_wait3A_169 = arith.constant 0 : i32
      %dma_wait3A_170 = arith.constant 0 : i32
      %dma_wait3A_171 = arith.constant 0 : i32
      %dma_wait3A_172 = arith.constant 0 : i32
      %dma_wait3A_173 = tpu.memref_slice %arg6[%dma_wait3A_170, %dma_wait3A_171, %dma_wait3A_172] : memref<2x512x32xf32, #tpu.memory_space<vmem>> -> memref<1x512x32xf32, #tpu.memory_space<vmem>>
      %dma_wait3A_174 = tpu.memref_squeeze %dma_wait3A_173 : memref<1x512x32xf32, #tpu.memory_space<vmem>> -> memref<512x32xf32, #tpu.memory_space<vmem>>
      %dma_wait3A_175 = arith.constant 0 : i32
      %dma_wait3A_176 = arith.constant 0 : i32
      %dma_wait3A_177 = tpu.memref_slice %dma_wait3A_174[%dma_wait3A_175, %dma_wait3A_176] : memref<512x32xf32, #tpu.memory_space<vmem>> -> memref<128x32xf32, #tpu.memory_space<vmem>>
      %dma_wait3A_178 = arith.constant 0 : i32
      %dma_wait3A_179 = tpu.memref_slice %arg5[%dma_wait3A_169, %dma_wait3A_178] : memref<50x512xi32, #tpu.memory_space<vmem>> -> memref<1x512xi32, #tpu.memory_space<vmem>>
      %dma_wait3A_180 = tpu.memref_squeeze %dma_wait3A_179 : memref<1x512xi32, #tpu.memory_space<vmem>> -> memref<512xi32, #tpu.memory_space<vmem>>
      %dma_wait3A_181 = arith.constant 0 : i32
      %dma_wait3A_182 = tpu.memref_slice %dma_wait3A_180[%dma_wait3A_181] : memref<512xi32, #tpu.memory_space<vmem>> -> memref<128xi32, #tpu.memory_space<vmem>>
      %dma_wait3A_183 = arith.constant 0 : i32
      %dma_wait3A_184 = arith.constant 0 : i32
      %dma_wait3A_185 = tpu.memref_slice %arg2[%dma_wait3A_183, %dma_wait3A_184] : memref<1000000x32xf32, #tpu.memory_space<hbm>> -> memref<1000000x32xf32, #tpu.memory_space<hbm>>
      tpu.wait_indirect_dma semaphore(%arg7 : memref<!tpu.dma_semaphore, #tpu.memory_space<semaphore_mem>>) src(%dma_wait3A_185 : memref<1000000x32xf32, #tpu.memory_space<hbm>>) dst(%dma_wait3A_177 : memref<128x32xf32, #tpu.memory_space<vmem>>)
      %dma_wait3A_186 = arith.constant 0 : i32
      %dma_wait3A_187 = arith.constant 0 : i32
      %dma_wait3A_188 = arith.constant 0 : i32
      %dma_wait3A_189 = arith.constant 0 : i32
      %dma_wait3A_190 = tpu.memref_slice %arg6[%dma_wait3A_187, %dma_wait3A_188, %dma_wait3A_189] : memref<2x512x32xf32, #tpu.memory_space<vmem>> -> memref<1x512x32xf32, #tpu.memory_space<vmem>>
      %dma_wait3A_191 = tpu.memref_squeeze %dma_wait3A_190 : memref<1x512x32xf32, #tpu.memory_space<vmem>> -> memref<512x32xf32, #tpu.memory_space<vmem>>
      %dma_wait3A_192 = arith.constant 0 : i32
      %dma_wait3A_193 = arith.constant 0 : i32
      %dma_wait3A_194 = tpu.memref_slice %dma_wait3A_191[%dma_wait3A_192, %dma_wait3A_193] : memref<512x32xf32, #tpu.memory_space<vmem>> -> memref<128x32xf32, #tpu.memory_space<vmem>>
      %dma_wait3A_195 = arith.constant 0 : i32
      %dma_wait3A_196 = tpu.memref_slice %arg5[%dma_wait3A_186, %dma_wait3A_195] : memref<50x512xi32, #tpu.memory_space<vmem>> -> memref<1x512xi32, #tpu.memory_space<vmem>>
      %dma_wait3A_197 = tpu.memref_squeeze %dma_wait3A_196 : memref<1x512xi32, #tpu.memory_space<vmem>> -> memref<512xi32, #tpu.memory_space<vmem>>
      %dma_wait3A_198 = arith.constant 0 : i32
      %dma_wait3A_199 = tpu.memref_slice %dma_wait3A_197[%dma_wait3A_198] : memref<512xi32, #tpu.memory_space<vmem>> -> memref<128xi32, #tpu.memory_space<vmem>>
      %dma_wait3A_200 = arith.constant 0 : i32
      %dma_wait3A_201 = arith.constant 0 : i32
      %dma_wait3A_202 = tpu.memref_slice %arg2[%dma_wait3A_200, %dma_wait3A_201] : memref<1000000x32xf32, #tpu.memory_space<hbm>> -> memref<1000000x32xf32, #tpu.memory_space<hbm>>
      tpu.wait_indirect_dma semaphore(%arg7 : memref<!tpu.dma_semaphore, #tpu.memory_space<semaphore_mem>>) src(%dma_wait3A_202 : memref<1000000x32xf32, #tpu.memory_space<hbm>>) dst(%dma_wait3A_194 : memref<128x32xf32, #tpu.memory_space<vmem>>)
      %dma_wait3A_203 = arith.constant 0 : i32
      %dma_wait3A_204 = arith.constant 0 : i32
      %dma_wait3A_205 = arith.constant 0 : i32
      %dma_wait3A_206 = arith.constant 0 : i32
      %dma_wait3A_207 = tpu.memref_slice %arg6[%dma_wait3A_204, %dma_wait3A_205, %dma_wait3A_206] : memref<2x512x32xf32, #tpu.memory_space<vmem>> -> memref<1x512x32xf32, #tpu.memory_space<vmem>>
      %dma_wait3A_208 = tpu.memref_squeeze %dma_wait3A_207 : memref<1x512x32xf32, #tpu.memory_space<vmem>> -> memref<512x32xf32, #tpu.memory_space<vmem>>
      %dma_wait3A_209 = arith.constant 0 : i32
      %dma_wait3A_210 = arith.constant 0 : i32
      %dma_wait3A_211 = tpu.memref_slice %dma_wait3A_208[%dma_wait3A_209, %dma_wait3A_210] : memref<512x32xf32, #tpu.memory_space<vmem>> -> memref<128x32xf32, #tpu.memory_space<vmem>>
      %dma_wait3A_212 = arith.constant 0 : i32
      %dma_wait3A_213 = tpu.memref_slice %arg5[%dma_wait3A_203, %dma_wait3A_212] : memref<50x512xi32, #tpu.memory_space<vmem>> -> memref<1x512xi32, #tpu.memory_space<vmem>>
      %dma_wait3A_214 = tpu.memref_squeeze %dma_wait3A_213 : memref<1x512xi32, #tpu.memory_space<vmem>> -> memref<512xi32, #tpu.memory_space<vmem>>
      %dma_wait3A_215 = arith.constant 0 : i32
      %dma_wait3A_216 = tpu.memref_slice %dma_wait3A_214[%dma_wait3A_215] : memref<512xi32, #tpu.memory_space<vmem>> -> memref<128xi32, #tpu.memory_space<vmem>>
      %dma_wait3A_217 = arith.constant 0 : i32
      %dma_wait3A_218 = arith.constant 0 : i32
      %dma_wait3A_219 = tpu.memref_slice %arg2[%dma_wait3A_217, %dma_wait3A_218] : memref<1000000x32xf32, #tpu.memory_space<hbm>> -> memref<1000000x32xf32, #tpu.memory_space<hbm>>
      tpu.wait_indirect_dma semaphore(%arg7 : memref<!tpu.dma_semaphore, #tpu.memory_space<semaphore_mem>>) src(%dma_wait3A_219 : memref<1000000x32xf32, #tpu.memory_space<hbm>>) dst(%dma_wait3A_211 : memref<128x32xf32, #tpu.memory_space<vmem>>)
      %dma_wait3A_220 = arith.constant 0 : i32
      %dma_wait3A_221 = arith.constant 0 : i32
      %dma_wait3A_222 = arith.constant 0 : i32
      %dma_wait3A_223 = arith.constant 0 : i32
      %dma_wait3A_224 = tpu.memref_slice %arg6[%dma_wait3A_221, %dma_wait3A_222, %dma_wait3A_223] : memref<2x512x32xf32, #tpu.memory_space<vmem>> -> memref<1x512x32xf32, #tpu.memory_space<vmem>>
      %dma_wait3A_225 = tpu.memref_squeeze %dma_wait3A_224 : memref<1x512x32xf32, #tpu.memory_space<vmem>> -> memref<512x32xf32, #tpu.memory_space<vmem>>
      %dma_wait3A_226 = arith.constant 0 : i32
      %dma_wait3A_227 = arith.constant 0 : i32
      %dma_wait3A_228 = tpu.memref_slice %dma_wait3A_225[%dma_wait3A_226, %dma_wait3A_227] : memref<512x32xf32, #tpu.memory_space<vmem>> -> memref<128x32xf32, #tpu.memory_space<vmem>>
      %dma_wait3A_229 = arith.constant 0 : i32
      %dma_wait3A_230 = tpu.memref_slice %arg5[%dma_wait3A_220, %dma_wait3A_229] : memref<50x512xi32, #tpu.memory_space<vmem>> -> memref<1x512xi32, #tpu.memory_space<vmem>>
      %dma_wait3A_231 = tpu.memref_squeeze %dma_wait3A_230 : memref<1x512xi32, #tpu.memory_space<vmem>> -> memref<512xi32, #tpu.memory_space<vmem>>
      %dma_wait3A_232 = arith.constant 0 : i32
      %dma_wait3A_233 = tpu.memref_slice %dma_wait3A_231[%dma_wait3A_232] : memref<512xi32, #tpu.memory_space<vmem>> -> memref<128xi32, #tpu.memory_space<vmem>>
      %dma_wait3A_234 = arith.constant 0 : i32
      %dma_wait3A_235 = arith.constant 0 : i32
      %dma_wait3A_236 = tpu.memref_slice %arg2[%dma_wait3A_234, %dma_wait3A_235] : memref<1000000x32xf32, #tpu.memory_space<hbm>> -> memref<1000000x32xf32, #tpu.memory_space<hbm>>
      tpu.wait_indirect_dma semaphore(%arg7 : memref<!tpu.dma_semaphore, #tpu.memory_space<semaphore_mem>>) src(%dma_wait3A_236 : memref<1000000x32xf32, #tpu.memory_space<hbm>>) dst(%dma_wait3A_228 : memref<128x32xf32, #tpu.memory_space<vmem>>)
      %dma_start3A_237 = arith.constant 0 : i32
      %dma_start3A_238 = arith.constant 0 : i32
      %dma_start3A_239 = arith.constant 0 : i32
      %dma_start3A_240 = tpu.memref_slice %arg6[%dma_start3A_237, %dma_start3A_238, %dma_start3A_239] : memref<2x512x32xf32, #tpu.memory_space<vmem>> -> memref<1x512x32xf32, #tpu.memory_space<vmem>>
      %dma_start3A_241 = tpu.memref_squeeze %dma_start3A_240 : memref<1x512x32xf32, #tpu.memory_space<vmem>> -> memref<512x32xf32, #tpu.memory_space<vmem>>
      %dma_start3A_242 = arith.constant 0 : i32
      %dma_start3A_243 = arith.constant 0 : i32
      %dma_start3A_244 = tpu.memref_slice %arg4[%mul3A_100, %dma_start3A_242, %dma_start3A_243] : memref<50x16384x32xf32, #tpu.memory_space<hbm>> -> memref<1x16384x32xf32, #tpu.memory_space<hbm>>
      %dma_start3A_245 = tpu.memref_squeeze %dma_start3A_244 : memref<1x16384x32xf32, #tpu.memory_space<hbm>> -> memref<16384x32xf32, #tpu.memory_space<hbm>>
      %dma_start3A_246 = arith.constant 0 : i32
      %dma_start3A_247 = tpu.memref_slice %dma_start3A_245[%mul3A_2, %dma_start3A_246] : memref<16384x32xf32, #tpu.memory_space<hbm>> -> memref<512x32xf32, #tpu.memory_space<hbm>>
      %dma_start3A_248 = arith.constant 0 : i32
      %dma_start3A_249 = arith.constant 0 : i32
      %dma_start3A_250 = tpu.memref_slice %arg4[%mul3A_100, %dma_start3A_248, %dma_start3A_249] : memref<50x16384x32xf32, #tpu.memory_space<hbm>> -> memref<1x16384x32xf32, #tpu.memory_space<hbm>>
      %dma_start3A_251 = tpu.memref_squeeze %dma_start3A_250 : memref<1x16384x32xf32, #tpu.memory_space<hbm>> -> memref<16384x32xf32, #tpu.memory_space<hbm>>
      %dma_start3A_252 = arith.constant 0 : i32
      %dma_start3A_253 = tpu.memref_slice %dma_start3A_251[%mul3A_2, %dma_start3A_252] : memref<16384x32xf32, #tpu.memory_space<hbm>> -> memref<512x32xf32, #tpu.memory_space<hbm>>
      %dma_start3A_254 = arith.constant 0 : i32
      %dma_start3A_255 = arith.constant 0 : i32
      %dma_start3A_256 = tpu.memref_slice %arg6[%dma_start3A_237, %dma_start3A_254, %dma_start3A_255] : memref<2x512x32xf32, #tpu.memory_space<vmem>> -> memref<1x512x32xf32, #tpu.memory_space<vmem>>
      %dma_start3A_257 = tpu.memref_squeeze %dma_start3A_256 : memref<1x512x32xf32, #tpu.memory_space<vmem>> -> memref<512x32xf32, #tpu.memory_space<vmem>>
      tpu.enqueue_dma source(%dma_start3A_257 : memref<512x32xf32, #tpu.memory_space<vmem>>) target(%dma_start3A_253 : memref<512x32xf32, #tpu.memory_space<hbm>>) target_semaphore(%arg9 : memref<!tpu.dma_semaphore, #tpu.memory_space<semaphore_mem>>)
      %dma_wait3A_258 = arith.constant 0 : i32
      %dma_wait3A_259 = arith.constant 0 : i32
      %dma_wait3A_260 = arith.constant 0 : i32
      %dma_wait3A_261 = arith.constant 0 : i32
      %dma_wait3A_262 = tpu.memref_slice %arg6[%dma_wait3A_258, %dma_wait3A_260, %dma_wait3A_261] : memref<2x512x32xf32, #tpu.memory_space<vmem>> -> memref<1x512x32xf32, #tpu.memory_space<vmem>>
      %dma_wait3A_263 = tpu.memref_squeeze %dma_wait3A_262 : memref<1x512x32xf32, #tpu.memory_space<vmem>> -> memref<512x32xf32, #tpu.memory_space<vmem>>
      %dma_wait3A_264 = arith.constant 0 : i32
      %dma_wait3A_265 = arith.constant 0 : i32
      %dma_wait3A_266 = tpu.memref_slice %arg4[%dma_wait3A_259, %dma_wait3A_264, %dma_wait3A_265] : memref<50x16384x32xf32, #tpu.memory_space<hbm>> -> memref<1x16384x32xf32, #tpu.memory_space<hbm>>
      %dma_wait3A_267 = tpu.memref_squeeze %dma_wait3A_266 : memref<1x16384x32xf32, #tpu.memory_space<hbm>> -> memref<16384x32xf32, #tpu.memory_space<hbm>>
      %dma_wait3A_268 = arith.constant 0 : i32
      %dma_wait3A_269 = tpu.memref_slice %dma_wait3A_267[%mul3A_2, %dma_wait3A_268] : memref<16384x32xf32, #tpu.memory_space<hbm>> -> memref<512x32xf32, #tpu.memory_space<hbm>>
      %dma_wait3A_270 = arith.constant 0 : i32
      %dma_wait3A_271 = arith.constant 0 : i32
      %dma_wait3A_272 = tpu.memref_slice %arg4[%dma_wait3A_259, %dma_wait3A_270, %dma_wait3A_271] : memref<50x16384x32xf32, #tpu.memory_space<hbm>> -> memref<1x16384x32xf32, #tpu.memory_space<hbm>>
      %dma_wait3A_273 = tpu.memref_squeeze %dma_wait3A_272 : memref<1x16384x32xf32, #tpu.memory_space<hbm>> -> memref<16384x32xf32, #tpu.memory_space<hbm>>
      %dma_wait3A_274 = arith.constant 0 : i32
      %dma_wait3A_275 = tpu.memref_slice %dma_wait3A_273[%mul3A_2, %dma_wait3A_274] : memref<16384x32xf32, #tpu.memory_space<hbm>> -> memref<512x32xf32, #tpu.memory_space<hbm>>
      %dma_wait3A_276 = arith.constant 0 : i32
      %dma_wait3A_277 = arith.constant 0 : i32
      %dma_wait3A_278 = tpu.memref_slice %arg6[%dma_wait3A_258, %dma_wait3A_276, %dma_wait3A_277] : memref<2x512x32xf32, #tpu.memory_space<vmem>> -> memref<1x512x32xf32, #tpu.memory_space<vmem>>
      %dma_wait3A_279 = tpu.memref_squeeze %dma_wait3A_278 : memref<1x512x32xf32, #tpu.memory_space<vmem>> -> memref<512x32xf32, #tpu.memory_space<vmem>>
      tpu.wait_dma2 semaphore(%arg9 : memref<!tpu.dma_semaphore, #tpu.memory_space<semaphore_mem>>) src(%dma_wait3A_279 : memref<512x32xf32, #tpu.memory_space<vmem>>) dst(%dma_wait3A_275 : memref<512x32xf32, #tpu.memory_space<hbm>>)
      %lt3A = arith.constant 24 : i32
      %lt3A_280 = arith.cmpi slt, %scan3A_97, %lt3A : i32
      %convert_element_type3A_281 = arith.extui %lt3A_280 : i1 to i32
      %cond3A_282 = arith.constant 0 : i32
      %cond3A_283 = arith.cmpi ne, %convert_element_type3A_281, %cond3A_282 : i32
      scf.if %cond3A_283 {
        %add3A_376 = arith.constant 2 : i32
        %add3A_377 = arith.addi %mul3A_100, %add3A_376 : i32
        %dma_start3A_378 = arith.constant 0 : i32
        %dma_start3A_379 = arith.constant 0 : i32
        %dma_start3A_380 = arith.constant 0 : i32
        %dma_start3A_381 = tpu.memref_slice %arg6[%dma_start3A_378, %dma_start3A_379, %dma_start3A_380] : memref<2x512x32xf32, #tpu.memory_space<vmem>> -> memref<1x512x32xf32, #tpu.memory_space<vmem>>
        %dma_start3A_382 = tpu.memref_squeeze %dma_start3A_381 : memref<1x512x32xf32, #tpu.memory_space<vmem>> -> memref<512x32xf32, #tpu.memory_space<vmem>>
        %dma_start3A_383 = arith.constant 0 : i32
        %dma_start3A_384 = arith.constant 0 : i32
        %dma_start3A_385 = tpu.memref_slice %dma_start3A_382[%dma_start3A_383, %dma_start3A_384] : memref<512x32xf32, #tpu.memory_space<vmem>> -> memref<128x32xf32, #tpu.memory_space<vmem>>
        %dma_start3A_386 = arith.constant 0 : i32
        %dma_start3A_387 = tpu.memref_slice %arg5[%add3A_377, %dma_start3A_386] : memref<50x512xi32, #tpu.memory_space<vmem>> -> memref<1x512xi32, #tpu.memory_space<vmem>>
        %dma_start3A_388 = tpu.memref_squeeze %dma_start3A_387 : memref<1x512xi32, #tpu.memory_space<vmem>> -> memref<512xi32, #tpu.memory_space<vmem>>
        %dma_start3A_389 = arith.constant 0 : i32
        %dma_start3A_390 = tpu.memref_slice %dma_start3A_388[%dma_start3A_389] : memref<512xi32, #tpu.memory_space<vmem>> -> memref<128xi32, #tpu.memory_space<vmem>>
        %dma_start3A_391 = arith.constant 0 : i32
        %dma_start3A_392 = arith.constant 0 : i32
        %dma_start3A_393 = tpu.memref_slice %arg2[%dma_start3A_391, %dma_start3A_392] : memref<1000000x32xf32, #tpu.memory_space<hbm>> -> memref<1000000x32xf32, #tpu.memory_space<hbm>>
        tpu.enqueue_indirect_dma source(%dma_start3A_393 : memref<1000000x32xf32, #tpu.memory_space<hbm>>) target(%dma_start3A_385 : memref<128x32xf32, #tpu.memory_space<vmem>>) offsets(%dma_start3A_390 : memref<128xi32, #tpu.memory_space<vmem>>) semaphore(%arg7 : memref<!tpu.dma_semaphore, #tpu.memory_space<semaphore_mem>>)
        %dma_start3A_394 = arith.constant 0 : i32
        %dma_start3A_395 = arith.constant 0 : i32
        %dma_start3A_396 = arith.constant 0 : i32
        %dma_start3A_397 = tpu.memref_slice %arg6[%dma_start3A_394, %dma_start3A_395, %dma_start3A_396] : memref<2x512x32xf32, #tpu.memory_space<vmem>> -> memref<1x512x32xf32, #tpu.memory_space<vmem>>
        %dma_start3A_398 = tpu.memref_squeeze %dma_start3A_397 : memref<1x512x32xf32, #tpu.memory_space<vmem>> -> memref<512x32xf32, #tpu.memory_space<vmem>>
        %dma_start3A_399 = arith.constant 128 : i32
        %dma_start3A_400 = arith.constant 0 : i32
        %dma_start3A_401 = tpu.memref_slice %dma_start3A_398[%dma_start3A_399, %dma_start3A_400] : memref<512x32xf32, #tpu.memory_space<vmem>> -> memref<128x32xf32, #tpu.memory_space<vmem>>
        %dma_start3A_402 = arith.constant 0 : i32
        %dma_start3A_403 = tpu.memref_slice %arg5[%add3A_377, %dma_start3A_402] : memref<50x512xi32, #tpu.memory_space<vmem>> -> memref<1x512xi32, #tpu.memory_space<vmem>>
        %dma_start3A_404 = tpu.memref_squeeze %dma_start3A_403 : memref<1x512xi32, #tpu.memory_space<vmem>> -> memref<512xi32, #tpu.memory_space<vmem>>
        %dma_start3A_405 = arith.constant 128 : i32
        %dma_start3A_406 = tpu.memref_slice %dma_start3A_404[%dma_start3A_405] : memref<512xi32, #tpu.memory_space<vmem>> -> memref<128xi32, #tpu.memory_space<vmem>>
        %dma_start3A_407 = arith.constant 0 : i32
        %dma_start3A_408 = arith.constant 0 : i32
        %dma_start3A_409 = tpu.memref_slice %arg2[%dma_start3A_407, %dma_start3A_408] : memref<1000000x32xf32, #tpu.memory_space<hbm>> -> memref<1000000x32xf32, #tpu.memory_space<hbm>>
        tpu.enqueue_indirect_dma source(%dma_start3A_409 : memref<1000000x32xf32, #tpu.memory_space<hbm>>) target(%dma_start3A_401 : memref<128x32xf32, #tpu.memory_space<vmem>>) offsets(%dma_start3A_406 : memref<128xi32, #tpu.memory_space<vmem>>) semaphore(%arg7 : memref<!tpu.dma_semaphore, #tpu.memory_space<semaphore_mem>>)
        %dma_start3A_410 = arith.constant 0 : i32
        %dma_start3A_411 = arith.constant 0 : i32
        %dma_start3A_412 = arith.constant 0 : i32
        %dma_start3A_413 = tpu.memref_slice %arg6[%dma_start3A_410, %dma_start3A_411, %dma_start3A_412] : memref<2x512x32xf32, #tpu.memory_space<vmem>> -> memref<1x512x32xf32, #tpu.memory_space<vmem>>
        %dma_start3A_414 = tpu.memref_squeeze %dma_start3A_413 : memref<1x512x32xf32, #tpu.memory_space<vmem>> -> memref<512x32xf32, #tpu.memory_space<vmem>>
        %dma_start3A_415 = arith.constant 256 : i32
        %dma_start3A_416 = arith.constant 0 : i32
        %dma_start3A_417 = tpu.memref_slice %dma_start3A_414[%dma_start3A_415, %dma_start3A_416] : memref<512x32xf32, #tpu.memory_space<vmem>> -> memref<128x32xf32, #tpu.memory_space<vmem>>
        %dma_start3A_418 = arith.constant 0 : i32
        %dma_start3A_419 = tpu.memref_slice %arg5[%add3A_377, %dma_start3A_418] : memref<50x512xi32, #tpu.memory_space<vmem>> -> memref<1x512xi32, #tpu.memory_space<vmem>>
        %dma_start3A_420 = tpu.memref_squeeze %dma_start3A_419 : memref<1x512xi32, #tpu.memory_space<vmem>> -> memref<512xi32, #tpu.memory_space<vmem>>
        %dma_start3A_421 = arith.constant 256 : i32
        %dma_start3A_422 = tpu.memref_slice %dma_start3A_420[%dma_start3A_421] : memref<512xi32, #tpu.memory_space<vmem>> -> memref<128xi32, #tpu.memory_space<vmem>>
        %dma_start3A_423 = arith.constant 0 : i32
        %dma_start3A_424 = arith.constant 0 : i32
        %dma_start3A_425 = tpu.memref_slice %arg2[%dma_start3A_423, %dma_start3A_424] : memref<1000000x32xf32, #tpu.memory_space<hbm>> -> memref<1000000x32xf32, #tpu.memory_space<hbm>>
        tpu.enqueue_indirect_dma source(%dma_start3A_425 : memref<1000000x32xf32, #tpu.memory_space<hbm>>) target(%dma_start3A_417 : memref<128x32xf32, #tpu.memory_space<vmem>>) offsets(%dma_start3A_422 : memref<128xi32, #tpu.memory_space<vmem>>) semaphore(%arg7 : memref<!tpu.dma_semaphore, #tpu.memory_space<semaphore_mem>>)
        %dma_start3A_426 = arith.constant 0 : i32
        %dma_start3A_427 = arith.constant 0 : i32
        %dma_start3A_428 = arith.constant 0 : i32
        %dma_start3A_429 = tpu.memref_slice %arg6[%dma_start3A_426, %dma_start3A_427, %dma_start3A_428] : memref<2x512x32xf32, #tpu.memory_space<vmem>> -> memref<1x512x32xf32, #tpu.memory_space<vmem>>
        %dma_start3A_430 = tpu.memref_squeeze %dma_start3A_429 : memref<1x512x32xf32, #tpu.memory_space<vmem>> -> memref<512x32xf32, #tpu.memory_space<vmem>>
        %dma_start3A_431 = arith.constant 384 : i32
        %dma_start3A_432 = arith.constant 0 : i32
        %dma_start3A_433 = tpu.memref_slice %dma_start3A_430[%dma_start3A_431, %dma_start3A_432] : memref<512x32xf32, #tpu.memory_space<vmem>> -> memref<128x32xf32, #tpu.memory_space<vmem>>
        %dma_start3A_434 = arith.constant 0 : i32
        %dma_start3A_435 = tpu.memref_slice %arg5[%add3A_377, %dma_start3A_434] : memref<50x512xi32, #tpu.memory_space<vmem>> -> memref<1x512xi32, #tpu.memory_space<vmem>>
        %dma_start3A_436 = tpu.memref_squeeze %dma_start3A_435 : memref<1x512xi32, #tpu.memory_space<vmem>> -> memref<512xi32, #tpu.memory_space<vmem>>
        %dma_start3A_437 = arith.constant 384 : i32
        %dma_start3A_438 = tpu.memref_slice %dma_start3A_436[%dma_start3A_437] : memref<512xi32, #tpu.memory_space<vmem>> -> memref<128xi32, #tpu.memory_space<vmem>>
        %dma_start3A_439 = arith.constant 0 : i32
        %dma_start3A_440 = arith.constant 0 : i32
        %dma_start3A_441 = tpu.memref_slice %arg2[%dma_start3A_439, %dma_start3A_440] : memref<1000000x32xf32, #tpu.memory_space<hbm>> -> memref<1000000x32xf32, #tpu.memory_space<hbm>>
        tpu.enqueue_indirect_dma source(%dma_start3A_441 : memref<1000000x32xf32, #tpu.memory_space<hbm>>) target(%dma_start3A_433 : memref<128x32xf32, #tpu.memory_space<vmem>>) offsets(%dma_start3A_438 : memref<128xi32, #tpu.memory_space<vmem>>) semaphore(%arg7 : memref<!tpu.dma_semaphore, #tpu.memory_space<semaphore_mem>>)
      } else {
      }
      %dma_wait3A_284 = arith.constant 0 : i32
      %dma_wait3A_285 = arith.constant 1 : i32
      %dma_wait3A_286 = arith.constant 0 : i32
      %dma_wait3A_287 = arith.constant 0 : i32
      %dma_wait3A_288 = tpu.memref_slice %arg6[%dma_wait3A_285, %dma_wait3A_286, %dma_wait3A_287] : memref<2x512x32xf32, #tpu.memory_space<vmem>> -> memref<1x512x32xf32, #tpu.memory_space<vmem>>
      %dma_wait3A_289 = tpu.memref_squeeze %dma_wait3A_288 : memref<1x512x32xf32, #tpu.memory_space<vmem>> -> memref<512x32xf32, #tpu.memory_space<vmem>>
      %dma_wait3A_290 = arith.constant 0 : i32
      %dma_wait3A_291 = arith.constant 0 : i32
      %dma_wait3A_292 = tpu.memref_slice %dma_wait3A_289[%dma_wait3A_290, %dma_wait3A_291] : memref<512x32xf32, #tpu.memory_space<vmem>> -> memref<128x32xf32, #tpu.memory_space<vmem>>
      %dma_wait3A_293 = arith.constant 0 : i32
      %dma_wait3A_294 = tpu.memref_slice %arg5[%dma_wait3A_284, %dma_wait3A_293] : memref<50x512xi32, #tpu.memory_space<vmem>> -> memref<1x512xi32, #tpu.memory_space<vmem>>
      %dma_wait3A_295 = tpu.memref_squeeze %dma_wait3A_294 : memref<1x512xi32, #tpu.memory_space<vmem>> -> memref<512xi32, #tpu.memory_space<vmem>>
      %dma_wait3A_296 = arith.constant 0 : i32
      %dma_wait3A_297 = tpu.memref_slice %dma_wait3A_295[%dma_wait3A_296] : memref<512xi32, #tpu.memory_space<vmem>> -> memref<128xi32, #tpu.memory_space<vmem>>
      %dma_wait3A_298 = arith.constant 0 : i32
      %dma_wait3A_299 = arith.constant 0 : i32
      %dma_wait3A_300 = tpu.memref_slice %arg2[%dma_wait3A_298, %dma_wait3A_299] : memref<1000000x32xf32, #tpu.memory_space<hbm>> -> memref<1000000x32xf32, #tpu.memory_space<hbm>>
      tpu.wait_indirect_dma semaphore(%arg8 : memref<!tpu.dma_semaphore, #tpu.memory_space<semaphore_mem>>) src(%dma_wait3A_300 : memref<1000000x32xf32, #tpu.memory_space<hbm>>) dst(%dma_wait3A_292 : memref<128x32xf32, #tpu.memory_space<vmem>>)
      %dma_wait3A_301 = arith.constant 0 : i32
      %dma_wait3A_302 = arith.constant 1 : i32
      %dma_wait3A_303 = arith.constant 0 : i32
      %dma_wait3A_304 = arith.constant 0 : i32
      %dma_wait3A_305 = tpu.memref_slice %arg6[%dma_wait3A_302, %dma_wait3A_303, %dma_wait3A_304] : memref<2x512x32xf32, #tpu.memory_space<vmem>> -> memref<1x512x32xf32, #tpu.memory_space<vmem>>
      %dma_wait3A_306 = tpu.memref_squeeze %dma_wait3A_305 : memref<1x512x32xf32, #tpu.memory_space<vmem>> -> memref<512x32xf32, #tpu.memory_space<vmem>>
      %dma_wait3A_307 = arith.constant 0 : i32
      %dma_wait3A_308 = arith.constant 0 : i32
      %dma_wait3A_309 = tpu.memref_slice %dma_wait3A_306[%dma_wait3A_307, %dma_wait3A_308] : memref<512x32xf32, #tpu.memory_space<vmem>> -> memref<128x32xf32, #tpu.memory_space<vmem>>
      %dma_wait3A_310 = arith.constant 0 : i32
      %dma_wait3A_311 = tpu.memref_slice %arg5[%dma_wait3A_301, %dma_wait3A_310] : memref<50x512xi32, #tpu.memory_space<vmem>> -> memref<1x512xi32, #tpu.memory_space<vmem>>
      %dma_wait3A_312 = tpu.memref_squeeze %dma_wait3A_311 : memref<1x512xi32, #tpu.memory_space<vmem>> -> memref<512xi32, #tpu.memory_space<vmem>>
      %dma_wait3A_313 = arith.constant 0 : i32
      %dma_wait3A_314 = tpu.memref_slice %dma_wait3A_312[%dma_wait3A_313] : memref<512xi32, #tpu.memory_space<vmem>> -> memref<128xi32, #tpu.memory_space<vmem>>
      %dma_wait3A_315 = arith.constant 0 : i32
      %dma_wait3A_316 = arith.constant 0 : i32
      %dma_wait3A_317 = tpu.memref_slice %arg2[%dma_wait3A_315, %dma_wait3A_316] : memref<1000000x32xf32, #tpu.memory_space<hbm>> -> memref<1000000x32xf32, #tpu.memory_space<hbm>>
      tpu.wait_indirect_dma semaphore(%arg8 : memref<!tpu.dma_semaphore, #tpu.memory_space<semaphore_mem>>) src(%dma_wait3A_317 : memref<1000000x32xf32, #tpu.memory_space<hbm>>) dst(%dma_wait3A_309 : memref<128x32xf32, #tpu.memory_space<vmem>>)
      %dma_wait3A_318 = arith.constant 0 : i32
      %dma_wait3A_319 = arith.constant 1 : i32
      %dma_wait3A_320 = arith.constant 0 : i32
      %dma_wait3A_321 = arith.constant 0 : i32
      %dma_wait3A_322 = tpu.memref_slice %arg6[%dma_wait3A_319, %dma_wait3A_320, %dma_wait3A_321] : memref<2x512x32xf32, #tpu.memory_space<vmem>> -> memref<1x512x32xf32, #tpu.memory_space<vmem>>
      %dma_wait3A_323 = tpu.memref_squeeze %dma_wait3A_322 : memref<1x512x32xf32, #tpu.memory_space<vmem>> -> memref<512x32xf32, #tpu.memory_space<vmem>>
      %dma_wait3A_324 = arith.constant 0 : i32
      %dma_wait3A_325 = arith.constant 0 : i32
      %dma_wait3A_326 = tpu.memref_slice %dma_wait3A_323[%dma_wait3A_324, %dma_wait3A_325] : memref<512x32xf32, #tpu.memory_space<vmem>> -> memref<128x32xf32, #tpu.memory_space<vmem>>
      %dma_wait3A_327 = arith.constant 0 : i32
      %dma_wait3A_328 = tpu.memref_slice %arg5[%dma_wait3A_318, %dma_wait3A_327] : memref<50x512xi32, #tpu.memory_space<vmem>> -> memref<1x512xi32, #tpu.memory_space<vmem>>
      %dma_wait3A_329 = tpu.memref_squeeze %dma_wait3A_328 : memref<1x512xi32, #tpu.memory_space<vmem>> -> memref<512xi32, #tpu.memory_space<vmem>>
      %dma_wait3A_330 = arith.constant 0 : i32
      %dma_wait3A_331 = tpu.memref_slice %dma_wait3A_329[%dma_wait3A_330] : memref<512xi32, #tpu.memory_space<vmem>> -> memref<128xi32, #tpu.memory_space<vmem>>
      %dma_wait3A_332 = arith.constant 0 : i32
      %dma_wait3A_333 = arith.constant 0 : i32
      %dma_wait3A_334 = tpu.memref_slice %arg2[%dma_wait3A_332, %dma_wait3A_333] : memref<1000000x32xf32, #tpu.memory_space<hbm>> -> memref<1000000x32xf32, #tpu.memory_space<hbm>>
      tpu.wait_indirect_dma semaphore(%arg8 : memref<!tpu.dma_semaphore, #tpu.memory_space<semaphore_mem>>) src(%dma_wait3A_334 : memref<1000000x32xf32, #tpu.memory_space<hbm>>) dst(%dma_wait3A_326 : memref<128x32xf32, #tpu.memory_space<vmem>>)
      %dma_wait3A_335 = arith.constant 0 : i32
      %dma_wait3A_336 = arith.constant 1 : i32
      %dma_wait3A_337 = arith.constant 0 : i32
      %dma_wait3A_338 = arith.constant 0 : i32
      %dma_wait3A_339 = tpu.memref_slice %arg6[%dma_wait3A_336, %dma_wait3A_337, %dma_wait3A_338] : memref<2x512x32xf32, #tpu.memory_space<vmem>> -> memref<1x512x32xf32, #tpu.memory_space<vmem>>
      %dma_wait3A_340 = tpu.memref_squeeze %dma_wait3A_339 : memref<1x512x32xf32, #tpu.memory_space<vmem>> -> memref<512x32xf32, #tpu.memory_space<vmem>>
      %dma_wait3A_341 = arith.constant 0 : i32
      %dma_wait3A_342 = arith.constant 0 : i32
      %dma_wait3A_343 = tpu.memref_slice %dma_wait3A_340[%dma_wait3A_341, %dma_wait3A_342] : memref<512x32xf32, #tpu.memory_space<vmem>> -> memref<128x32xf32, #tpu.memory_space<vmem>>
      %dma_wait3A_344 = arith.constant 0 : i32
      %dma_wait3A_345 = tpu.memref_slice %arg5[%dma_wait3A_335, %dma_wait3A_344] : memref<50x512xi32, #tpu.memory_space<vmem>> -> memref<1x512xi32, #tpu.memory_space<vmem>>
      %dma_wait3A_346 = tpu.memref_squeeze %dma_wait3A_345 : memref<1x512xi32, #tpu.memory_space<vmem>> -> memref<512xi32, #tpu.memory_space<vmem>>
      %dma_wait3A_347 = arith.constant 0 : i32
      %dma_wait3A_348 = tpu.memref_slice %dma_wait3A_346[%dma_wait3A_347] : memref<512xi32, #tpu.memory_space<vmem>> -> memref<128xi32, #tpu.memory_space<vmem>>
      %dma_wait3A_349 = arith.constant 0 : i32
      %dma_wait3A_350 = arith.constant 0 : i32
      %dma_wait3A_351 = tpu.memref_slice %arg2[%dma_wait3A_349, %dma_wait3A_350] : memref<1000000x32xf32, #tpu.memory_space<hbm>> -> memref<1000000x32xf32, #tpu.memory_space<hbm>>
      tpu.wait_indirect_dma semaphore(%arg8 : memref<!tpu.dma_semaphore, #tpu.memory_space<semaphore_mem>>) src(%dma_wait3A_351 : memref<1000000x32xf32, #tpu.memory_space<hbm>>) dst(%dma_wait3A_343 : memref<128x32xf32, #tpu.memory_space<vmem>>)
      %add3A_352 = arith.constant 1 : i32
      %add3A_353 = arith.addi %mul3A_100, %add3A_352 : i32
      %dma_start3A_354 = arith.constant 1 : i32
      %dma_start3A_355 = arith.constant 0 : i32
      %dma_start3A_356 = arith.constant 0 : i32
      %dma_start3A_357 = tpu.memref_slice %arg6[%dma_start3A_354, %dma_start3A_355, %dma_start3A_356] : memref<2x512x32xf32, #tpu.memory_space<vmem>> -> memref<1x512x32xf32, #tpu.memory_space<vmem>>
      %dma_start3A_358 = tpu.memref_squeeze %dma_start3A_357 : memref<1x512x32xf32, #tpu.memory_space<vmem>> -> memref<512x32xf32, #tpu.memory_space<vmem>>
      %dma_start3A_359 = arith.constant 0 : i32
      %dma_start3A_360 = arith.constant 0 : i32
      %dma_start3A_361 = tpu.memref_slice %arg4[%add3A_353, %dma_start3A_359, %dma_start3A_360] : memref<50x16384x32xf32, #tpu.memory_space<hbm>> -> memref<1x16384x32xf32, #tpu.memory_space<hbm>>
      %dma_start3A_362 = tpu.memref_squeeze %dma_start3A_361 : memref<1x16384x32xf32, #tpu.memory_space<hbm>> -> memref<16384x32xf32, #tpu.memory_space<hbm>>
      %dma_start3A_363 = arith.constant 0 : i32
      %dma_start3A_364 = tpu.memref_slice %dma_start3A_362[%mul3A_2, %dma_start3A_363] : memref<16384x32xf32, #tpu.memory_space<hbm>> -> memref<512x32xf32, #tpu.memory_space<hbm>>
      %dma_start3A_365 = arith.constant 0 : i32
      %dma_start3A_366 = arith.constant 0 : i32
      %dma_start3A_367 = tpu.memref_slice %arg4[%add3A_353, %dma_start3A_365, %dma_start3A_366] : memref<50x16384x32xf32, #tpu.memory_space<hbm>> -> memref<1x16384x32xf32, #tpu.memory_space<hbm>>
      %dma_start3A_368 = tpu.memref_squeeze %dma_start3A_367 : memref<1x16384x32xf32, #tpu.memory_space<hbm>> -> memref<16384x32xf32, #tpu.memory_space<hbm>>
      %dma_start3A_369 = arith.constant 0 : i32
      %dma_start3A_370 = tpu.memref_slice %dma_start3A_368[%mul3A_2, %dma_start3A_369] : memref<16384x32xf32, #tpu.memory_space<hbm>> -> memref<512x32xf32, #tpu.memory_space<hbm>>
      %dma_start3A_371 = arith.constant 0 : i32
      %dma_start3A_372 = arith.constant 0 : i32
      %dma_start3A_373 = tpu.memref_slice %arg6[%dma_start3A_354, %dma_start3A_371, %dma_start3A_372] : memref<2x512x32xf32, #tpu.memory_space<vmem>> -> memref<1x512x32xf32, #tpu.memory_space<vmem>>
      %dma_start3A_374 = tpu.memref_squeeze %dma_start3A_373 : memref<1x512x32xf32, #tpu.memory_space<vmem>> -> memref<512x32xf32, #tpu.memory_space<vmem>>
      tpu.enqueue_dma source(%dma_start3A_374 : memref<512x32xf32, #tpu.memory_space<vmem>>) target(%dma_start3A_370 : memref<512x32xf32, #tpu.memory_space<hbm>>) target_semaphore(%arg10 : memref<!tpu.dma_semaphore, #tpu.memory_space<semaphore_mem>>)
      %scan3A_375 = arith.constant 0 : i32
      scf.yield %scan3A_375 : i32
    }
    %scan3A_75 = arith.constant 25 : i32
    %dma_wait3A = arith.constant 1 : i32
    %dma_wait3A_76 = arith.constant 0 : i32
    %dma_wait3A_77 = arith.constant 0 : i32
    %dma_wait3A_78 = arith.constant 0 : i32
    %dma_wait3A_79 = tpu.memref_slice %arg6[%dma_wait3A, %dma_wait3A_77, %dma_wait3A_78] : memref<2x512x32xf32, #tpu.memory_space<vmem>> -> memref<1x512x32xf32, #tpu.memory_space<vmem>>
    %dma_wait3A_80 = tpu.memref_squeeze %dma_wait3A_79 : memref<1x512x32xf32, #tpu.memory_space<vmem>> -> memref<512x32xf32, #tpu.memory_space<vmem>>
    %dma_wait3A_81 = arith.constant 0 : i32
    %dma_wait3A_82 = arith.constant 0 : i32
    %dma_wait3A_83 = tpu.memref_slice %arg4[%dma_wait3A_76, %dma_wait3A_81, %dma_wait3A_82] : memref<50x16384x32xf32, #tpu.memory_space<hbm>> -> memref<1x16384x32xf32, #tpu.memory_space<hbm>>
    %dma_wait3A_84 = tpu.memref_squeeze %dma_wait3A_83 : memref<1x16384x32xf32, #tpu.memory_space<hbm>> -> memref<16384x32xf32, #tpu.memory_space<hbm>>
    %dma_wait3A_85 = arith.constant 0 : i32
    %dma_wait3A_86 = tpu.memref_slice %dma_wait3A_84[%mul3A_2, %dma_wait3A_85] : memref<16384x32xf32, #tpu.memory_space<hbm>> -> memref<512x32xf32, #tpu.memory_space<hbm>>
    %dma_wait3A_87 = arith.constant 0 : i32
    %dma_wait3A_88 = arith.constant 0 : i32
    %dma_wait3A_89 = tpu.memref_slice %arg4[%dma_wait3A_76, %dma_wait3A_87, %dma_wait3A_88] : memref<50x16384x32xf32, #tpu.memory_space<hbm>> -> memref<1x16384x32xf32, #tpu.memory_space<hbm>>
    %dma_wait3A_90 = tpu.memref_squeeze %dma_wait3A_89 : memref<1x16384x32xf32, #tpu.memory_space<hbm>> -> memref<16384x32xf32, #tpu.memory_space<hbm>>
    %dma_wait3A_91 = arith.constant 0 : i32
    %dma_wait3A_92 = tpu.memref_slice %dma_wait3A_90[%mul3A_2, %dma_wait3A_91] : memref<16384x32xf32, #tpu.memory_space<hbm>> -> memref<512x32xf32, #tpu.memory_space<hbm>>
    %dma_wait3A_93 = arith.constant 0 : i32
    %dma_wait3A_94 = arith.constant 0 : i32
    %dma_wait3A_95 = tpu.memref_slice %arg6[%dma_wait3A, %dma_wait3A_93, %dma_wait3A_94] : memref<2x512x32xf32, #tpu.memory_space<vmem>> -> memref<1x512x32xf32, #tpu.memory_space<vmem>>
    %dma_wait3A_96 = tpu.memref_squeeze %dma_wait3A_95 : memref<1x512x32xf32, #tpu.memory_space<vmem>> -> memref<512x32xf32, #tpu.memory_space<vmem>>
    tpu.wait_dma2 semaphore(%arg10 : memref<!tpu.dma_semaphore, #tpu.memory_space<semaphore_mem>>) src(%dma_wait3A_96 : memref<512x32xf32, #tpu.memory_space<vmem>>) dst(%dma_wait3A_92 : memref<512x32xf32, #tpu.memory_space<hbm>>)
    return
  }
}

module attributes {stable_mosaic.version = 14 : i64} {
  func.func @_mlp_body(%arg0: i32, %arg1: i32, %arg2: memref<1x16384x32xf32, #tpu.memory_space<vmem>>, %arg3: memref<32x32xf32, #tpu.memory_space<vmem>>, %arg4: memref<32x1xf32, #tpu.memory_space<vmem>>, %arg5: memref<32x32xf32, #tpu.memory_space<vmem>>, %arg6: memref<32x1xf32, #tpu.memory_space<vmem>>, %arg7: memref<1x32x16384xf32, #tpu.memory_space<vmem>>) attributes {dimension_semantics = [#tpu.dimension_semantics<arbitrary>, #tpu.dimension_semantics<arbitrary>], iteration_bounds = array<i64: 50, 1>, scalar_prefetch = 0 : i64, scratch_operands = 0 : i64, tpu.core_type = #tpu.core_type<tc>, window_params = [{transform_indices = @transform_0, window_bounds = array<i64: 1, 16384, 32>}, {pipeline_mode = #tpu.pipeline_mode<synchronous>, transform_indices = @transform_1, window_bounds = array<i64: 32, 32>}, {pipeline_mode = #tpu.pipeline_mode<synchronous>, transform_indices = @transform_2, window_bounds = array<i64: 32, 1>}, {pipeline_mode = #tpu.pipeline_mode<synchronous>, transform_indices = @transform_3, window_bounds = array<i64: 32, 32>}, {pipeline_mode = #tpu.pipeline_mode<synchronous>, transform_indices = @transform_4, window_bounds = array<i64: 32, 1>}, {transform_indices = @transform_5, window_bounds = array<i64: 1, 32, 16384>}]} {
    %get3A = arith.constant 0 : index
    %get3A_0 = arith.constant 0 : index
    %get3A_1 = arith.constant 0 : index
    %get3A_2 = vector.load %arg2[%get3A, %get3A_0, %get3A_1] : memref<1x16384x32xf32, #tpu.memory_space<vmem>>, vector<1x16384x32xf32>
    %get3A_3 = vector.shape_cast %get3A_2 : vector<1x16384x32xf32> to vector<16384x32xf32>
    %transpose3A = tpu.transpose %get3A_3, [1, 0] : vector<16384x32xf32> -> vector<32x16384xf32>
    %get3A_4 = arith.constant 0 : index
    %get3A_5 = arith.constant 0 : index
    %get3A_6 = vector.load %arg3[%get3A_4, %get3A_5] : memref<32x32xf32, #tpu.memory_space<vmem>>, vector<32x32xf32>
    %dot_general3A = arith.constant dense<0.000000e+00> : vector<32x16384xf32>
    %dot_general3A_7 = tpu.matmul %get3A_6, %transpose3A, %dot_general3A {dimension_numbers = #tpu.dot_dimension_numbers<[1], [0], [0], [1], [0, 0, 1, 1], [], []>, transpose_lhs_hint = false} : vector<32x32xf32>, vector<32x16384xf32>, vector<32x16384xf32> -> vector<32x16384xf32>
    %get3A_8 = arith.constant 0 : index
    %get3A_9 = arith.constant 0 : index
    %get3A_10 = vector.load %arg4[%get3A_8, %get3A_9] : memref<32x1xf32, #tpu.memory_space<vmem>>, vector<32x1xf32>
    %add3A = vector.broadcast %get3A_10 : vector<32x1xf32> to vector<32x16384xf32>
    %add3A_11 = arith.addf %dot_general3A_7, %add3A : vector<32x16384xf32>
    %max3A = arith.constant 0.000000e+00 : f32
    %max3A_12 = vector.broadcast %max3A : f32 to vector<32x16384xf32>
    %max3A_13 = arith.maximumf %add3A_11, %max3A_12 : vector<32x16384xf32>
    %get3A_14 = arith.constant 0 : index
    %get3A_15 = arith.constant 0 : index
    %get3A_16 = vector.load %arg5[%get3A_14, %get3A_15] : memref<32x32xf32, #tpu.memory_space<vmem>>, vector<32x32xf32>
    %dot_general3A_17 = arith.constant dense<0.000000e+00> : vector<32x16384xf32>
    %dot_general3A_18 = tpu.matmul %get3A_16, %max3A_13, %dot_general3A_17 {dimension_numbers = #tpu.dot_dimension_numbers<[1], [0], [0], [1], [0, 0, 1, 1], [], []>, transpose_lhs_hint = false} : vector<32x32xf32>, vector<32x16384xf32>, vector<32x16384xf32> -> vector<32x16384xf32>
    %get3A_19 = arith.constant 0 : index
    %get3A_20 = arith.constant 0 : index
    %get3A_21 = vector.load %arg6[%get3A_19, %get3A_20] : memref<32x1xf32, #tpu.memory_space<vmem>>, vector<32x1xf32>
    %add3A_22 = vector.broadcast %get3A_21 : vector<32x1xf32> to vector<32x16384xf32>
    %add3A_23 = arith.addf %dot_general3A_18, %add3A_22 : vector<32x16384xf32>
    %max3A_24 = arith.constant 0.000000e+00 : f32
    %max3A_25 = vector.broadcast %max3A_24 : f32 to vector<32x16384xf32>
    %max3A_26 = arith.maximumf %add3A_23, %max3A_25 : vector<32x16384xf32>
    %swap3A = arith.constant 0 : index
    %swap3A_27 = arith.constant 0 : index
    %swap3A_28 = arith.constant 0 : index
    %swap3A_29 = vector.load %arg7[%swap3A, %swap3A_27, %swap3A_28] : memref<1x32x16384xf32, #tpu.memory_space<vmem>>, vector<1x32x16384xf32>
    %swap3A_30 = vector.shape_cast %swap3A_29 : vector<1x32x16384xf32> to vector<32x16384xf32>
    %swap3A_31 = vector.shape_cast %max3A_26 : vector<32x16384xf32> to vector<1x32x16384xf32>
    tpu.vector_store %arg7[%swap3A, %swap3A_27, %swap3A_28], %swap3A_31 {strides = array<i32>} : memref<1x32x16384xf32, #tpu.memory_space<vmem>>, vector<1x32x16384xf32>,
    return
  }
  func.func @transform_0(%arg0: i32, %arg1: i32) -> (i32, i32, i32) {
    %c0_i32 = arith.constant 0 : i32
    %c0_i32_0 = arith.constant 0 : i32
    return %arg0, %arg1, %c0_i32 : i32, i32, i32
  }
  func.func @transform_1(%arg0: i32, %arg1: i32) -> (i32, i32) {
    %c0_i32 = arith.constant 0 : i32
    %c0_i32_0 = arith.constant 0 : i32
    %c0_i32_1 = arith.constant 0 : i32
    return %c0_i32, %c0_i32_0 : i32, i32
  }
  func.func @transform_2(%arg0: i32, %arg1: i32) -> (i32, i32) {
    %c0_i32 = arith.constant 0 : i32
    %c0_i32_0 = arith.constant 0 : i32
    %c0_i32_1 = arith.constant 0 : i32
    return %c0_i32, %c0_i32_0 : i32, i32
  }
  func.func @transform_3(%arg0: i32, %arg1: i32) -> (i32, i32) {
    %c0_i32 = arith.constant 0 : i32
    %c0_i32_0 = arith.constant 0 : i32
    %c0_i32_1 = arith.constant 0 : i32
    return %c0_i32, %c0_i32_0 : i32, i32
  }
  func.func @transform_4(%arg0: i32, %arg1: i32) -> (i32, i32) {
    %c0_i32 = arith.constant 0 : i32
    %c0_i32_0 = arith.constant 0 : i32
    %c0_i32_1 = arith.constant 0 : i32
    return %c0_i32, %c0_i32_0 : i32, i32
  }
  func.func @transform_5(%arg0: i32, %arg1: i32) -> (i32, i32, i32) {
    %c0_i32 = arith.constant 0 : i32
    %c0_i32_0 = arith.constant 0 : i32
    return %arg0, %c0_i32, %arg1 : i32, i32, i32
  }
}

</mosaic_0001>

<sc_bundles>
// kernel: kernel.4.cloned.1.call-start
scs
__scs_entry_jumppad:
0x0: {  	(pc) =	sbr.rel $0x88, $3  }
0x1: {  	(tag) =	ssettag $0x0;
	lr =	simm.s32 $0x1  }
0x2: {  	[smem:$0x3F9B] =	sst lr;
	_ =	strace $0xD0000000  }
0x3: {  	_ = 	snop  }
0x4: {  	_ = 	snop  }
0x5: {  	_ = 	snop  }
0x6: {  	_ = 	snop  }
0x7: {  	_ = 	snop  }
__scs_overlays_trampoline_lowered:
0x8: {  	[smem:$0x3FAA] =	sst s0  }
0x9: {  	[smem:$0x3FAB] =	sst s1  }
0xa: {  	[smem:$0x3FAC] =	sst s2  }
0xb: {  	[smem:$0x3FAD] =	sst s3  }
0xc: {  	[smem:$0x3FAE] =	sst s4  }
0xd: {  	[smem:$0x3FAF] =	sst s5  }
0xe: {  	[smem:$0x3FB0] =	sst s6  }
0xf: {  	[smem:$0x3FB1] =	sst s7  }
0x10: {  	[smem:$0x3FB2] =	sst s8  }
0x11: {  	[smem:$0x3FB3] =	sst s9;
	s0 =	simm.s32 @!p0 $0x0  }
0x12: {  	s1 =	sld [smem:$0x3F99];
	s0 =	simm.s32 @p0 $0x1  }
0x13: {  	[smem:$0x3FB4] =	sst s0;
	s0 =	simm.s32 @!p1 $0x0  }
0x14: {  	s2 =	sld [smem:$0x3F98];
	s0 =	simm.s32 @p1 $0x1  }
0x15: {  	[smem:$0x3FB5] =	sst s0;
	s0 =	simm.s32 @!p2 $0x0  }
0x16: {  	s3 =	sld [smem:$0x3FDB];
	s0 =	simm.s32 @p2 $0x1  }
0x17: {  	s4 =	simm.s32 $0x1BF5;
	[smem:$0x3FB7] =	sst s0  }
0x18: {  	s0 =	sld [smem:$0x3F9A];
	_ =	swait.ge [sflag:s4], $0x0  }
0x19: {  	s7 =	sld [smem:$0x3F9B]  }
0x1a: {  	s8 =	sadd.s32 $0xFFFFE003, lr  }
0x1b: {  	s9 =	sadd.s32 $0xFFFFFEF7, lr;
	s5 =	simm.s32 $0xFFFFFFFF;
	p2 =	slt.u32 s8, $0xFFFFF086  }
0x1c: {  	p1 =	slt.u32 s9, $0xF7A;
	s5 =	simm.s32 @!p2 $0x0  }
0x1d: {  	s5 =	simm.s32 @p1 $0x1;
	p0 =	seq.s32 s7, s2  }
0x1e: {  	s7 =	smul.u32 @!p0 $0xF7A, s2;
	p2 =	seq.s32 @!p0 s5, $0x0  }
0x1f: {  	s9 =	smul.u32 $0xF7A, s1;
	s8 =	simm.s32 @!p0 $0x1BF5;
	p2 =	por !p2, p0  }
0x20: {  	[sflag:s8] =	ssyncset.s32 @!p0 $0xFFFFF086;
	s6 =	sadd.s32 @!p0 s3, s7;
	s7 =	simm.s32 @!p0 $0x108  }
0x21: {  	s3 =	sadd.s32 s3, s9;
	s6 =	sadd.s32 @!p0 $0x88, s6;
	s7 =	simm.s32 @p2 $0x1082  }
0x22: {  	[simem:s7], [sflag:s8] =	dma.local @!p0 [hbm:s6], $0xF7A  }
0x23: {  	s9 =	sor.u32 $0xD0000000, s2;
	s6 =	simm.s32 $0x108;
	_ =	swait.ge @!p0 [sflag:s8], $0x0  }
0x24: {  	s3 =	sadd.s32 $0x88, s3;
	s6 =	simm.s32 @!p1 $0x1082;
	[sflag:s4] =	ssyncset.s32 $0xFFFFF086  }
0x25: {  	[simem:s6], [sflag:s4] =	dma.local [hbm:s3], $0xF7A  }
0x26: {  	[smem:$0x3F9B] =	sst s1;
	(tag) =	ssettag s2;
	_ =	strace s9  }
0x27: {  	s1 =	sld [smem:$0x3FAB]  }
0x28: {  	s2 =	sld [smem:$0x3FAC]  }
0x29: {  	s4 =	sld [smem:$0x3FAE]  }
0x2a: {  	p0 =	seq.s32 s5, $0x0;
	s5 =	sld [smem:$0x3FAF]  }
0x2b: {  	s6 =	sld [smem:$0x3FB0]  }
0x2c: {  	s7 =	sld [smem:$0x3FB1]  }
0x2d: {  	s3 =	simm.s32 $0x108;
	s8 =	sld [smem:$0x3FB2]  }
0x2e: {  	s3 =	simm.s32 @!p0 $0x1082;
	s9 =	sld [smem:$0x3FB3]  }
0x2f: {  	lr =	sadd.s32 s0, s3;
	s0 =	sld [smem:$0x3FAA]  }
0x30: {  	s3 =	sld [smem:$0x3FAD]  }
0x31: {  	[smem:$0x3FB6] =	sst s10  }
0x32: {  	s10 =	sld [smem:$0x3FB4];
	_ =	sdelay $0x3  }
0x33: {  	p0 =	seq.s32 s10, $0x1;
	s10 =	sld [smem:$0x3FB6];
	_ =	sdelay $0x3  }
0x34: {  	[smem:$0x3FB6] =	sst s10  }
0x35: {  	s10 =	sld [smem:$0x3FB5];
	_ =	sdelay $0x3  }
0x36: {  	p1 =	seq.s32 s10, $0x1;
	s10 =	sld [smem:$0x3FB6];
	_ =	sdelay $0x3  }
0x37: {  	[smem:$0x3FB6] =	sst s10  }
0x38: {  	s10 =	sld [smem:$0x3FB7]  }
0x39: {  	_ = 	snop;
	(pc) =	sbr.ind lr, $3  }
0x3a: {  	_ = 	snop  }
0x3b: {  	_ = 	snop  }
0x3c: {  	p2 =	seq.s32 s10, $0x1;
	s10 =	sld [smem:$0x3FB6]  }
0x3d: {  	_ =	shalt  }
0x3e: {  	_ =	shalt  }
0x3f: {  	_ =	shalt  }
0x40: {  	_ =	shalt  }
0x41: {  	_ =	shalt  }
0x42: {  	_ =	shalt  }
0x43: {  	_ =	shalt  }
0x44: {  	_ =	shalt  }
0x45: {  	_ =	shalt  }
0x46: {  	_ =	shalt  }
0x47: {  	_ =	shalt  }
0x48: {  	_ =	shalt  }
0x49: {  	_ =	shalt  }
0x4a: {  	_ =	shalt  }
0x4b: {  	_ =	shalt  }
0x4c: {  	_ =	shalt  }
0x4d: {  	_ =	shalt  }
0x4e: {  	_ =	shalt  }
0x4f: {  	_ =	shalt  }
0x50: {  	_ =	shalt  }
0x51: {  	_ =	shalt  }
0x52: {  	_ =	shalt  }
0x53: {  	_ =	shalt  }
0x54: {  	_ =	shalt  }
0x55: {  	_ =	shalt  }
0x56: {  	_ =	shalt  }
0x57: {  	_ =	shalt  }
0x58: {  	_ =	shalt  }
0x59: {  	_ =	shalt  }
0x5a: {  	_ =	shalt  }
0x5b: {  	_ =	shalt  }
0x5c: {  	_ =	shalt  }
0x5d: {  	_ =	shalt  }
0x5e: {  	_ =	shalt  }
0x5f: {  	_ =	shalt  }
0x60: {  	_ =	shalt  }
0x61: {  	_ =	shalt  }
0x62: {  	_ =	shalt  }
0x63: {  	_ =	shalt  }
0x64: {  	_ =	shalt  }
0x65: {  	_ =	shalt  }
0x66: {  	_ =	shalt  }
0x67: {  	_ =	shalt  }
0x68: {  	_ =	shalt  }
0x69: {  	_ =	shalt  }
0x6a: {  	_ =	shalt  }
0x6b: {  	_ =	shalt  }
0x6c: {  	_ =	shalt  }
0x6d: {  	_ =	shalt  }
0x6e: {  	_ =	shalt  }
0x6f: {  	_ =	shalt  }
0x70: {  	_ =	shalt  }
0x71: {  	_ =	shalt  }
0x72: {  	_ =	shalt  }
0x73: {  	_ =	shalt  }
0x74: {  	_ =	shalt  }
0x75: {  	_ =	shalt  }
0x76: {  	_ =	shalt  }
0x77: {  	_ =	shalt  }
0x78: {  	_ =	shalt  }
0x79: {  	_ =	shalt  }
0x7a: {  	_ =	shalt  }
0x7b: {  	_ =	shalt  }
0x7c: {  	_ =	shalt  }
0x7d: {  	_ =	shalt  }
0x7e: {  	_ =	shalt  }
0x7f: {  	_ =	shalt  }
0x80: {  	_ =	shalt  }
0x81: {  	_ =	shalt  }
0x82: {  	_ =	shalt  }
0x83: {  	_ =	shalt  }
0x84: {  	_ =	shalt  }
0x85: {  	_ =	shalt  }
0x86: {  	_ =	shalt  }
0x87: {  	_ =	shalt  }
.Lfunc_end0:
.L_simem_size_0:
called_computation_lowered:
.L_overlay_start_0:
0x88: {  	s2 =	sld [smem:$0x3FD9]  }
0x89: {  	s3 =	sld [smem:$0x3FFE];
	_ =	sdelay $0x1  }
0x8a: {  	s1 =	srdreg.scid  }
0x8b: {  	s0 =	sand.u32 $0x1, s1  }
0x8c: {  	s17 =	sshll.u32 s0, $0xA;
	s2 =	sadd.s32 s3, s2  }
0x8d: {  	s2 =	sadd.s32 s2, s17  }
0x8e: {  	[smem:$0x3FC2] =	sst s2  }
0x8f: {  	_ = 	snop  }
0x90: {  	s2 =	sld [smem:$0x3FD0];
	(tm) =	ssettm $0x1  }
0x91: {  	s18 =	sld [smem:$0x3FFB];
	_ =	sdelay $0x3  }
0x92: {  	_ =	strace s18  }
0x93: {  	s3 =	sld [smem:$0x3FFC];
	_ =	sdelay $0x3  }
0x94: {  	_ =	strace s3  }
0x95: {  	s3 =	sld [smem:$0x3FFD];
	_ =	sdelay $0x3  }
0x96: {  	_ =	strace s3  }
0x97: {  	_ =	strace $0x8FFFFFFF  }
0x98: {  	s19 =	sld [smem:$0x3FDB];
	_ =	sdelay $0x1  }
0x99: {  	s4 =	simm.s32 $_scs_section_size  }
0x9a: {  	s5 =	simm.s32 $_size__tile_overlayer_lowered;
	s6 =	simm.s32 $_tile_overlayer_lowered  }
0x9b: {  	s22 =	simm.s32 $0x1BFF;
	s21 =	sshll.u32 s6, $0x1;
	s3 =	sadd.s32 s4, s19  }
0x9c: {  	s7 =	simm.s32 $0x0;
	s20 =	sshll.u32 s5, $0x1;
	s5 =	sadd.s32 s21, s3  }
0x9d: {  	[timem:s7], [sflag:s22] =	dma.local [hbm:s5], s20  }
0x9e: {  	_ =	swait.ge [sflag:s22], s20  }
0x9f: {  	s4 =	ssub.s32 $0x0, s20;
	[sflag:s22] =	ssyncset.done $0x0  }
0xa0: {  	[sflag:s22] =	ssyncadd.s32 s4;
	_ =	sdelay $0x1  }
0xa1: {  	s23 =	simm.s32 $0x1B8B  }
0xa2: {  	_ =	swait.ge [sflag:s23], $0x1  }
0xa3: {  	[sflag:s23] =	ssyncset.done $0x0  }
0xa4: {  	s25 =	simm.s32 $0x1B8E;
	s24 =	sld [smem:$0x3FFE];
	[sflag:s23] =	ssyncadd.s32 $0xFFFFFFFF  }
0xa5: {  	s26 =	simm.s32 $execute0_lowered;
	[smem:$0x3FD2] =	sst s25  }
0xa6: {  	s5 =	sshll.u32 s26, $0x1;
	_ =	strace $0x80000046;
	[dreg:$0x1] =	wrdreg $0xFFFFFFFF  }
0xa7: {  	s28 =	simm.s32 $_size_execute0_lowered;
	s3 =	sadd.s32 s3, s5;
	[dreg:$0x0] =	wrdreg $0x0  }
0xa8: {  	s5 =	sshll.u32 s28, $0x1;
	[dreg:$0x2] =	wrdreg s3  }
0xa9: {  	[dreg:$0x3] =	wrdreg s5  }
0xaa: {  	[dreg:$0x4] =	wrdreg $0xC0  }
0xab: {  	_ =	task [dreg:s7], $0x5FFFF  }
0xac: {  	[dreg:$0x1] =	wrdreg $0xFFFFFFFF  }
0xad: {  	[dreg:$0x0] =	wrdreg $0x60  }
0xae: {  	[dreg:$0x2] =	wrdreg s24  }
0xaf: {  	[dreg:$0x3] =	wrdreg s2  }
0xb0: {  	[dreg:$0x4] =	wrdreg $0x9  }
0xb1: {  	_ =	task.clear_ibuf [dreg:s7], $0x5FFFF;
	_ =	strace $0x90000046  }
0xb2: {  	s29 =	simm.s32 $0x9;
	_ =	strace $0x80000048  }
0xb3: {  	_ =	swait.ge [sflag:s29], $0x1  }
0xb4: {  	[sflag:s29] =	ssyncadd.s32 $0xFFFFFFFF  }
0xb5: {  	_ =	strace $0x90000048  }
0xb6: {  	_ =	sfence  }
0xb7: {  	s30 =	sld [smem:$0x0];
	_ =	sdelay $0x2  }
0xb8: {  	s31 =	sshll.u32 s1, $0xD;
	s1 =	sshrl.u32 s1, $0x2  }
0xb9: {  	s3 =	sand.u32 $0x4000, s31;
	s1 =	sadd.s32 s1, s30  }
0xba: {  	s0 =	sor.u32 s3, s0;
	s1 =	sshll.u32 s1, $0x11  }
0xbb: {  	s0 =	sor.u32 s1, s0  }
0xbc: {  	s0 =	sadd.s32 $0x8F2B, s0  }
0xbd: {  	[sflag:s0] =	ssyncadd.remote.s32 $0x1  }
0xbe: {  	_ =	sfence.sel $0xFFFF  }
0xbf: {  	[dreg:$0x0] =	wrdreg $0xFFFFFFFF;
	(pc) =	sbr.abs _section_cstart, $3  }
0xc0: {  	[dreg:$0x1] =	wrdreg $0xFFFFFFFF  }
0xc1: {  	_ =	task.clear_ibuf [dreg:s7], $0x2FFFF;
	_ =	strace $0x9FFFFFFF  }
0xc2: {  	(tm) =	ssettm $0x7FFFFFFF  }
0xc3: {  	_ =	shalt  }
tec
execute0_lowered:
.L_overlay_start_1:
0x0: {  	(tag) =	ssettag $0x1  }
0x1: {  	s0 =	srdreg.scid;
	s1 =	rddreg [dreg:$0x0]  }
0x2: {  	s2 =	stileid.u32;
	s8 =	rddreg [dreg:$0x1];
	s3 =	simm.s32 $0x0  }
0x3: {  	s9 =	simm.s32 $0x200;
	s11 =	simm.s32 $0x5;
	s12 =	simm.s32 $0x80  }
0x4: {  	s13 =	simm.s32 $0x6400;
	s14 =	simm.s32 $0x7400;
	s16 =	simm.s32 $0x8400  }
0x5: {  	s18 =	simm.s32 $0x9400;
	s19 =	simm.s32 $0xA400;
	s21 =	simm.s32 $0xB400  }
0x6: {  	s29 =	simm.s32 $0xD400;
	s30 =	simm.s32 $0x1;
	s31 =	simm.s32 $0x3  }
0x7: {  	s17 =	simm.s32 $0x2;
	s20 =	simm.s32 $0x4;
	s0 =	sand.u32 $0x1, s0  }
0x8: {  	s2 =	sshll.u32 s2, $0xA;
	[smem:$0x7FF] =	sst s3;
	s25 =	sadd.s32 $0x10000, s8  }
0x9: {  	s26 =	sadd.s32 $0x300000, s8;
	s28 =	sadd.s32 $0x310000, s8;
	s4 =	sshll.u32 s0, $0x9  }
0xa: {  	s8 =	sadd.s32 $0x20000, s8;
	s0 =	ssub.s32 $0x2, s0;
	s2 =	sor.u32 s4, s2  }
0xb: {  	_ =	strace $0x80000047;
	s6 =	sshrl.u32 s0, $0x1;
	s4 =	sshrl.u32 s2, $0x3  }
0xc: {  	s0 =	ssub.s32 s0, s6;
	s6 =	sshll.u32 s2, $0x2;
	s5 =	sadd.s32 s4, s1  }
0xd: {  	s4 =	sadd.s32 $0xF43200, s1;
	s7 =	smax.u32 s0, $0x1;
	s23 =	sadd.s32 s6, s25  }
0xe: {  	s24 =	sadd.s32 s6, s26;
	s25 =	sadd.s32 s6, s28;
	s26 =	simm.s32 $0xC400  }
0xf: {  	s1 =	simm.s32 $0x6380;
	s0 =	simm.s32 $0x0;
	s5 =	sadd.s32 $0xE00, s5  }
.LBB2_1:
0x10: {  	s2 =	simm.s32 $0x4000  }
0x11: {  	[tilespmem:s3], [sflag:$0x5] =	stream.strided.gather [hbm4b:s5+s9], $0x6400, s2, s9, $0x38;
	[tilespmem:$0xE400] =	vst v63  }
0x12: {  	_ =	swait.ge [sflag:s11], $0x6400  }
0x13: {  	[sflag:s11] =	ssyncset.done $0x0  }
0x14: {  	[sflag:s11] =	ssyncadd.s32 $0xFFFF9C00  }
0x15: {  	[tilespmem:s13], [sflag:$0x1] =	stream.indirect.gather [hbm4b:s4+s12], $0x20, s3, s12, $0xb8;
	[tilespmem:$0xE400] =	vst v63  }
0x16: {  	_ = 	snop  }
0x17: {  	[tilespmem:s14], [sflag:$0x1] =	stream.indirect.gather [hbm4b:s4+s12], $0x20, s12, s12, $0xb8;
	[tilespmem:$0xE400] =	vst v63  }
0x18: {  	s15 =	simm.s32 $0x100  }
0x19: {  	[tilespmem:s16], [sflag:$0x1] =	stream.indirect.gather [hbm4b:s4+s12], $0x20, s15, s12, $0xb8;
	[tilespmem:$0xE400] =	vst v63  }
0x1a: {  	s22 =	simm.s32 $0x180  }
0x1b: {  	[tilespmem:s18], [sflag:$0x1] =	stream.indirect.gather [hbm4b:s4+s12], $0x20, s22, s12, $0xb8;
	[tilespmem:$0xE400] =	vst v63  }
0x1c: {  	_ = 	snop  }
0x1d: {  	[tilespmem:s19], [sflag:$0x2] =	stream.indirect.gather [hbm4b:s4+s12], $0x20, s9, s12, $0xb8;
	[tilespmem:$0xE400] =	vst v63  }
0x1e: {  	s28 =	simm.s32 $0x280  }
0x1f: {  	[tilespmem:s21], [sflag:$0x2] =	stream.indirect.gather [hbm4b:s4+s12], $0x20, s28, s12, $0xb8;
	[tilespmem:$0xE400] =	vst v63  }
0x20: {  	s10 =	simm.s32 $0x300  }
0x21: {  	[tilespmem:s26], [sflag:$0x2] =	stream.indirect.gather [hbm4b:s4+s12], $0x20, s10, s12, $0xb8;
	[tilespmem:$0xE400] =	vst v63  }
0x22: {  	s15 =	simm.s32 $0x380  }
0x23: {  	[tilespmem:s29], [sflag:$0x2] =	stream.indirect.gather [hbm4b:s4+s12], $0x20, s15, s12, $0xb8;
	[tilespmem:$0xE400] =	vst v63  }
0x24: {  	_ =	swait.ge [sflag:s30], $0x1000  }
0x25: {  	[sflag:s30] =	ssyncset.done $0x0  }
0x26: {  	[sflag:s30] =	ssyncadd.s32 $0xFFFFF000  }
0x27: {  	_ =	swait.ge [sflag:s30], $0x1000  }
0x28: {  	[sflag:s30] =	ssyncset.done $0x0  }
0x29: {  	[sflag:s30] =	ssyncadd.s32 $0xFFFFF000  }
0x2a: {  	_ =	swait.ge [sflag:s30], $0x1000  }
0x2b: {  	[sflag:s30] =	ssyncset.done $0x0  }
0x2c: {  	[sflag:s30] =	ssyncadd.s32 $0xFFFFF000  }
0x2d: {  	_ =	swait.ge [sflag:s30], $0x1000  }
0x2e: {  	[sflag:s30] =	ssyncset.done $0x0  }
0x2f: {  	[sflag:s30] =	ssyncadd.s32 $0xFFFFF000  }
0x30: {  	s22 =	rddreg [dreg:$0x1]  }
0x31: {  	s10 =	sadd.s32 s6, s22  }
0x32: {  	[hbm4b:s10+s3] =	stream.linear.scatter [tilespmem:s13], [sflag:$0x3], $0x4000, $0x38;
	[tilespmem:$0xE400] =	vst v63  }
0x33: {  	_ =	swait.ge [sflag:s31], $0x4000  }
0x34: {  	[sflag:s31] =	ssyncset.done $0x0  }
0x35: {  	s28 =	simm.s32 $0x400;
	[sflag:s31] =	ssyncadd.s32 $0xFFFFC000  }
0x36: {  	[tilespmem:s13], [sflag:$0x1] =	stream.indirect.gather [hbm4b:s4+s12], $0x20, s28, s12, $0xb8;
	[tilespmem:$0xE400] =	vst v63  }
0x37: {  	s10 =	simm.s32 $0x480  }
0x38: {  	[tilespmem:s14], [sflag:$0x1] =	stream.indirect.gather [hbm4b:s4+s12], $0x20, s10, s12, $0xb8;
	[tilespmem:$0xE400] =	vst v63  }
0x39: {  	s15 =	simm.s32 $0x500  }
0x3a: {  	[tilespmem:s16], [sflag:$0x1] =	stream.indirect.gather [hbm4b:s4+s12], $0x20, s15, s12, $0xb8;
	[tilespmem:$0xE400] =	vst v63  }
0x3b: {  	s22 =	simm.s32 $0x580  }
0x3c: {  	[tilespmem:s18], [sflag:$0x1] =	stream.indirect.gather [hbm4b:s4+s12], $0x20, s22, s12, $0xb8;
	[tilespmem:$0xE400] =	vst v63  }
0x3d: {  	_ =	swait.ge [sflag:s17], $0x1000  }
0x3e: {  	[sflag:s17] =	ssyncset.done $0x0  }
0x3f: {  	[sflag:s17] =	ssyncadd.s32 $0xFFFFF000  }
0x40: {  	_ =	swait.ge [sflag:s17], $0x1000  }
0x41: {  	[sflag:s17] =	ssyncset.done $0x0  }
0x42: {  	[sflag:s17] =	ssyncadd.s32 $0xFFFFF000  }
0x43: {  	_ =	swait.ge [sflag:s17], $0x1000  }
0x44: {  	[sflag:s17] =	ssyncset.done $0x0  }
0x45: {  	[sflag:s17] =	ssyncadd.s32 $0xFFFFF000  }
0x46: {  	_ =	swait.ge [sflag:s17], $0x1000  }
0x47: {  	[sflag:s17] =	ssyncset.done $0x0  }
0x48: {  	[sflag:s17] =	ssyncadd.s32 $0xFFFFF000  }
0x49: {  	[hbm4b:s23+s3] =	stream.linear.scatter [tilespmem:s19], [sflag:$0x4], $0x4000, $0x38;
	[tilespmem:$0xE400] =	vst v63  }
0x4a: {  	_ =	swait.ge [sflag:s20], $0x4000  }
0x4b: {  	[sflag:s20] =	ssyncset.done $0x0  }
0x4c: {  	s28 =	simm.s32 $0x600;
	[sflag:s20] =	ssyncadd.s32 $0xFFFFC000  }
0x4d: {  	[tilespmem:s19], [sflag:$0x2] =	stream.indirect.gather [hbm4b:s4+s12], $0x20, s28, s12, $0xb8;
	[tilespmem:$0xE400] =	vst v63  }
0x4e: {  	s2 =	simm.s32 $0x680  }
0x4f: {  	[tilespmem:s21], [sflag:$0x2] =	stream.indirect.gather [hbm4b:s4+s12], $0x20, s2, s12, $0xb8;
	[tilespmem:$0xE400] =	vst v63  }
0x50: {  	s15 =	simm.s32 $0x700  }
0x51: {  	[tilespmem:s26], [sflag:$0x2] =	stream.indirect.gather [hbm4b:s4+s12], $0x20, s15, s12, $0xb8;
	[tilespmem:$0xE400] =	vst v63  }
0x52: {  	s22 =	simm.s32 $0x780  }
0x53: {  	[tilespmem:s29], [sflag:$0x2] =	stream.indirect.gather [hbm4b:s4+s12], $0x20, s22, s12, $0xb8;
	[tilespmem:$0xE400] =	vst v63  }
0x54: {  	_ =	swait.ge [sflag:s30], $0x1000  }
0x55: {  	[sflag:s30] =	ssyncset.done $0x0  }
0x56: {  	[sflag:s30] =	ssyncadd.s32 $0xFFFFF000  }
0x57: {  	_ =	swait.ge [sflag:s30], $0x1000  }
0x58: {  	[sflag:s30] =	ssyncset.done $0x0  }
0x59: {  	[sflag:s30] =	ssyncadd.s32 $0xFFFFF000  }
0x5a: {  	_ =	swait.ge [sflag:s30], $0x1000  }
0x5b: {  	[sflag:s30] =	ssyncset.done $0x0  }
0x5c: {  	[sflag:s30] =	ssyncadd.s32 $0xFFFFF000  }
0x5d: {  	_ =	swait.ge [sflag:s30], $0x1000  }
0x5e: {  	[sflag:s30] =	ssyncset.done $0x0  }
0x5f: {  	s15 =	sadd.s32 s6, s8;
	[sflag:s30] =	ssyncadd.s32 $0xFFFFF000  }
0x60: {  	[hbm4b:s15+s3] =	stream.linear.scatter [tilespmem:s13], [sflag:$0x3], $0x4000, $0x38;
	[tilespmem:$0xE400] =	vst v63  }
0x61: {  	_ =	swait.ge [sflag:s31], $0x4000  }
0x62: {  	[sflag:s31] =	ssyncset.done $0x0  }
0x63: {  	s28 =	simm.s32 $0x800;
	[sflag:s31] =	ssyncadd.s32 $0xFFFFC000  }
0x64: {  	[tilespmem:s13], [sflag:$0x1] =	stream.indirect.gather [hbm4b:s4+s12], $0x20, s28, s12, $0xb8;
	[tilespmem:$0xE400] =	vst v63  }
0x65: {  	s2 =	simm.s32 $0x880  }
0x66: {  	[tilespmem:s14], [sflag:$0x1] =	stream.indirect.gather [hbm4b:s4+s12], $0x20, s2, s12, $0xb8;
	[tilespmem:$0xE400] =	vst v63  }
0x67: {  	s22 =	simm.s32 $0x900  }
0x68: {  	[tilespmem:s16], [sflag:$0x1] =	stream.indirect.gather [hbm4b:s4+s12], $0x20, s22, s12, $0xb8;
	[tilespmem:$0xE400] =	vst v63  }
0x69: {  	s28 =	simm.s32 $0x980  }
0x6a: {  	[tilespmem:s18], [sflag:$0x1] =	stream.indirect.gather [hbm4b:s4+s12], $0x20, s28, s12, $0xb8;
	[tilespmem:$0xE400] =	vst v63  }
0x6b: {  	_ =	swait.ge [sflag:s17], $0x1000  }
0x6c: {  	[sflag:s17] =	ssyncset.done $0x0  }
0x6d: {  	[sflag:s17] =	ssyncadd.s32 $0xFFFFF000  }
0x6e: {  	_ =	swait.ge [sflag:s17], $0x1000  }
0x6f: {  	[sflag:s17] =	ssyncset.done $0x0  }
0x70: {  	[sflag:s17] =	ssyncadd.s32 $0xFFFFF000  }
0x71: {  	_ =	swait.ge [sflag:s17], $0x1000  }
0x72: {  	[sflag:s17] =	ssyncset.done $0x0  }
0x73: {  	[sflag:s17] =	ssyncadd.s32 $0xFFFFF000  }
0x74: {  	_ =	swait.ge [sflag:s17], $0x1000  }
0x75: {  	s10 =	simm.s32 $0x1000;
	[sflag:s17] =	ssyncset.done $0x0  }
0x76: {  	s22 =	sadd.s32 $0x10000, s15;
	s15 =	sadd.s32 $0x20000, s8;
	[sflag:s17] =	ssyncadd.s32 $0xFFFFF000  }
.LBB2_2:
0x77: {  	[hbm4b:s22+s3] =	stream.linear.scatter [tilespmem:s19], [sflag:$0x4], $0x4000, $0x38;
	[tilespmem:$0xE400] =	vst v63  }
0x78: {  	s22 =	smov.u32 s10  }
0x79: {  	p0 =	sne.s32 s10, $0x16000;
	s10 =	sadd.s32 $0x1000, s10;
	_ =	swait.ge [sflag:s20], $0x4000  }
0x7a: {  	s22 =	sshra.s32 s22, $0x2;
	[sflag:s20] =	ssyncset.done $0x0  }
0x7b: {  	s2 =	sadd.s32 $0x600, s22;
	[sflag:s20] =	ssyncadd.s32 $0xFFFFC000  }
0x7c: {  	[tilespmem:s19], [sflag:$0x2] =	stream.indirect.gather [hbm4b:s4+s12], $0x20, s2, s12, $0xb8;
	[tilespmem:$0xE400] =	vst v63  }
0x7d: {  	s2 =	sadd.s32 $0x680, s22  }
0x7e: {  	[tilespmem:s21], [sflag:$0x2] =	stream.indirect.gather [hbm4b:s4+s12], $0x20, s2, s12, $0xb8;
	[tilespmem:$0xE400] =	vst v63  }
0x7f: {  	s2 =	sadd.s32 $0x700, s22  }
0x80: {  	[tilespmem:s26], [sflag:$0x2] =	stream.indirect.gather [hbm4b:s4+s12], $0x20, s2, s12, $0xb8;
	[tilespmem:$0xE400] =	vst v63  }
0x81: {  	s2 =	sadd.s32 $0x780, s22  }
0x82: {  	[tilespmem:s29], [sflag:$0x2] =	stream.indirect.gather [hbm4b:s4+s12], $0x20, s2, s12, $0xb8;
	[tilespmem:$0xE400] =	vst v63  }
0x83: {  	_ =	swait.ge [sflag:s30], $0x1000  }
0x84: {  	[sflag:s30] =	ssyncset.done $0x0  }
0x85: {  	[sflag:s30] =	ssyncadd.s32 $0xFFFFF000  }
0x86: {  	_ =	swait.ge [sflag:s30], $0x1000  }
0x87: {  	[sflag:s30] =	ssyncset.done $0x0  }
0x88: {  	[sflag:s30] =	ssyncadd.s32 $0xFFFFF000  }
0x89: {  	_ =	swait.ge [sflag:s30], $0x1000  }
0x8a: {  	[sflag:s30] =	ssyncset.done $0x0  }
0x8b: {  	[sflag:s30] =	ssyncadd.s32 $0xFFFFF000  }
0x8c: {  	_ =	swait.ge [sflag:s30], $0x1000  }
0x8d: {  	[sflag:s30] =	ssyncset.done $0x0  }
0x8e: {  	s2 =	sadd.s32 s6, s15;
	[sflag:s30] =	ssyncadd.s32 $0xFFFFF000  }
0x8f: {  	[hbm4b:s2+s3] =	stream.linear.scatter [tilespmem:s13], [sflag:$0x3], $0x4000, $0x38;
	[tilespmem:$0xE400] =	vst v63  }
0x90: {  	_ =	swait.ge [sflag:s31], $0x4000  }
0x91: {  	[sflag:s31] =	ssyncset.done $0x0  }
0x92: {  	s28 =	sadd.s32 $0x800, s22;
	[sflag:s31] =	ssyncadd.s32 $0xFFFFC000  }
0x93: {  	[tilespmem:s13], [sflag:$0x1] =	stream.indirect.gather [hbm4b:s4+s12], $0x20, s28, s12, $0xb8;
	[tilespmem:$0xE400] =	vst v63  }
0x94: {  	s28 =	sadd.s32 $0x880, s22  }
0x95: {  	[tilespmem:s14], [sflag:$0x1] =	stream.indirect.gather [hbm4b:s4+s12], $0x20, s28, s12, $0xb8;
	[tilespmem:$0xE400] =	vst v63  }
0x96: {  	s28 =	sadd.s32 $0x900, s22  }
0x97: {  	[tilespmem:s16], [sflag:$0x1] =	stream.indirect.gather [hbm4b:s4+s12], $0x20, s28, s12, $0xb8;
	[tilespmem:$0xE400] =	vst v63  }
0x98: {  	s22 =	sadd.s32 $0x980, s22  }
0x99: {  	[tilespmem:s18], [sflag:$0x1] =	stream.indirect.gather [hbm4b:s4+s12], $0x20, s22, s12, $0xb8;
	[tilespmem:$0xE400] =	vst v63  }
0x9a: {  	_ =	swait.ge [sflag:s17], $0x1000  }
0x9b: {  	[sflag:s17] =	ssyncset.done $0x0  }
0x9c: {  	[sflag:s17] =	ssyncadd.s32 $0xFFFFF000  }
0x9d: {  	_ =	swait.ge [sflag:s17], $0x1000  }
0x9e: {  	[sflag:s17] =	ssyncset.done $0x0  }
0x9f: {  	[sflag:s17] =	ssyncadd.s32 $0xFFFFF000  }
0xa0: {  	_ =	swait.ge [sflag:s17], $0x1000  }
.Ltmp0:
0xa1: {  	[sflag:s17] =	ssyncset.done $0x0;
	(pc) =	sbr.rel @p0 .LBB2_2-.Ltmp0, $4  }
0xa2: {  	[sflag:s17] =	ssyncadd.s32 $0xFFFFF000  }
0xa3: {  	_ =	swait.ge [sflag:s17], $0x1000  }
0xa4: {  	[sflag:s17] =	ssyncset.done $0x0  }
0xa5: {  	s15 =	sadd.s32 $0x20000, s15;
	s22 =	sadd.s32 $0x10000, s2;
	[sflag:s17] =	ssyncadd.s32 $0xFFFFF000  }
0xa6: {  	[hbm4b:s22+s3] =	stream.linear.scatter [tilespmem:s19], [sflag:$0x4], $0x4000, $0x38;
	[tilespmem:$0xE400] =	vst v63  }
0xa7: {  	_ =	swait.ge [sflag:s20], $0x4000  }
0xa8: {  	[sflag:s20] =	ssyncset.done $0x0  }
0xa9: {  	s2 =	simm.s32 $0x6200;
	[sflag:s20] =	ssyncadd.s32 $0xFFFFC000  }
0xaa: {  	[tilespmem:s19], [sflag:$0x2] =	stream.indirect.gather [hbm4b:s4+s12], $0x20, s2, s12, $0xb8;
	[tilespmem:$0xE400] =	vst v63  }
0xab: {  	s22 =	simm.s32 $0x6280  }
0xac: {  	[tilespmem:s21], [sflag:$0x2] =	stream.indirect.gather [hbm4b:s4+s12], $0x20, s22, s12, $0xb8;
	[tilespmem:$0xE400] =	vst v63  }
0xad: {  	s28 =	simm.s32 $0x6300  }
0xae: {  	[tilespmem:s26], [sflag:$0x2] =	stream.indirect.gather [hbm4b:s4+s12], $0x20, s28, s12, $0xb8;
	[tilespmem:$0xE400] =	vst v63  }
0xaf: {  	_ = 	snop  }
0xb0: {  	[tilespmem:s29], [sflag:$0x2] =	stream.indirect.gather [hbm4b:s4+s12], $0x20, s1, s12, $0xb8;
	[tilespmem:$0xE400] =	vst v63  }
0xb1: {  	_ =	swait.ge [sflag:s30], $0x1000  }
0xb2: {  	[sflag:s30] =	ssyncset.done $0x0  }
0xb3: {  	[sflag:s30] =	ssyncadd.s32 $0xFFFFF000  }
0xb4: {  	_ =	swait.ge [sflag:s30], $0x1000  }
0xb5: {  	[sflag:s30] =	ssyncset.done $0x0  }
0xb6: {  	[sflag:s30] =	ssyncadd.s32 $0xFFFFF000  }
0xb7: {  	_ =	swait.ge [sflag:s30], $0x1000  }
0xb8: {  	[sflag:s30] =	ssyncset.done $0x0  }
0xb9: {  	[sflag:s30] =	ssyncadd.s32 $0xFFFFF000  }
0xba: {  	_ =	swait.ge [sflag:s30], $0x1000  }
0xbb: {  	[sflag:s30] =	ssyncset.done $0x0  }
0xbc: {  	[sflag:s30] =	ssyncadd.s32 $0xFFFFF000  }
0xbd: {  	[hbm4b:s24+s3] =	stream.linear.scatter [tilespmem:s13], [sflag:$0x3], $0x4000, $0x38;
	[tilespmem:$0xE400] =	vst v63  }
0xbe: {  	_ =	swait.ge [sflag:s31], $0x4000  }
0xbf: {  	[sflag:s31] =	ssyncset.done $0x0  }
0xc0: {  	[sflag:s31] =	ssyncadd.s32 $0xFFFFC000  }
0xc1: {  	_ =	swait.ge [sflag:s17], $0x1000  }
0xc2: {  	[sflag:s17] =	ssyncset.done $0x0  }
0xc3: {  	[sflag:s17] =	ssyncadd.s32 $0xFFFFF000  }
0xc4: {  	_ =	swait.ge [sflag:s17], $0x1000  }
0xc5: {  	[sflag:s17] =	ssyncset.done $0x0  }
0xc6: {  	[sflag:s17] =	ssyncadd.s32 $0xFFFFF000  }
0xc7: {  	_ =	swait.ge [sflag:s17], $0x1000  }
0xc8: {  	[sflag:s17] =	ssyncset.done $0x0  }
0xc9: {  	[sflag:s17] =	ssyncadd.s32 $0xFFFFF000  }
0xca: {  	s0 =	sadd.s32 $0x1, s0;
	_ =	swait.ge [sflag:s17], $0x1000  }
0xcb: {  	p0 =	sne.s32 s0, s7;
	[sflag:s17] =	ssyncset.done $0x0  }
.Ltmp1:
0xcc: {  	[sflag:s17] =	ssyncadd.s32 $0xFFFFF000;
	(pc) =	sbr.rel @p0 .LBB2_1-.Ltmp1, $4  }
0xcd: {  	[hbm4b:s25+s3] =	stream.linear.scatter [tilespmem:s19], [sflag:$0x4], $0x4000, $0x38;
	[tilespmem:$0xE400] =	vst v63  }
0xce: {  	_ =	swait.ge [sflag:s20], $0x4000  }
0xcf: {  	[sflag:s20] =	ssyncset.done $0x0  }
0xd0: {  	[sflag:s20] =	ssyncadd.s32 $0xFFFFC000  }
0xd1: {  	_ =	sfence.sel $0x180000  }
0xd2: {  	[bflag:$0x0] =	sbarrier.arrive $0xFFFF  }
0xd3: {  	_ =	strace $0x90000047  }
0xd4: {  	s0 =	stileid.u32;
	[bflag:$0x2] =	sbarrier.arrive $0xFFFF  }
0xd5: {  	p0 =	sne.s32 s0, $0x0;
	s0 =	rddreg [dreg:$0x2]  }
0xd6: {  	s0 =	sadd.s32 @!p0 $0x100000, s0  }
0xd7: {  	[sflag:s0] =	ssyncadd.tile.s32 @!p0 $0x1;
	_ =	shalt  }
.Lfunc_end2:
_tile_overlayer_lowered:
.L_overlay_start_2:
0xd8: {  	(tag) =	ssettag $0x2  }
0xd9: {  	s0 =	rddreg [dreg:$0x0];
	s2 =	stileid.u32  }
0xda: {  	s1 =	rddreg [dreg:$0x1];
	p0 =	sne.s32 s2, $0x0  }
0xdb: {  	s3 =	rddreg [dreg:$0x2];
	[bflag:$0x3] =	sbarrier.arrive $0xFFFF;
	s2 =	simm.s32 @!p0 $0x1C05  }
0xdc: {  	[timem:s3], [sflag:s2] =	dma.local @!p0 [hbm:s0], s1  }
0xdd: {  	s0 =	simm.s32 @!p0 $0x5  }
0xde: {  	_ =	swait.ge @!p0 [sflag:s0], s1  }
0xdf: {  	s1 =	ssub.s32 @!p0 $0x0, s1;
	[sflag:s0] =	ssyncset.done @!p0 $0x0  }
0xe0: {  	[sflag:s0] =	ssyncadd.s32 @!p0 s1  }
0xe1: {  	[bflag:$0x3] =	sbarrier.arrive $0xFFFF  }
0xe2: {  	_ =	shalt  }

</sc_bundles>
